<compile_context>
chip_gen: v7x
topology: tpu7x:2x2x1
jax: 0.10.2.dev20260603
libtpu: 0.0.44.dev20260713+nightly
codegen_flags: <defaults>
</compile_context>

<pallas_src>
import functools

import jax
import jax.numpy as jnp
from jax import lax
from jax.experimental import pallas as pl
from jax.experimental.pallas import tpu as pltpu
from jax.experimental.pallas import tpu_sc as plsc

N_NODES = 100000
N_ELEMS = 6400000
NPAD = 100352
CHUNK = 2000
NCHUNKS = N_ELEMS // CHUNK
NW = 32
SSPAN = NPAD // 16

_f32 = jnp.float32
_i32 = jnp.int32


def _sc_body(ux, uy, uz, ci, cj, dx, dy, dz, pE, pA, ln, fpart,
             bi, bj, bi2, bj2, bdx, bdy, bdz, bpE, bpA, bln,
             guix, guiy, guiz, gujx, gujy, gujz,
             fxp, fyp, fzp, fxn, fyn, fzn,
             fxp2, fyp2, fzp2, fxn2, fyn2, fzn2, zbuf,
             sem_l, sem_g, sem_s,
             sux, suy, suz, sfx, sfy, sfz):
    c = lax.axis_index("c")
    s = lax.axis_index("s")
    w = s * 2 + c
    off = s * SSPAN

    def _zero(i, _):
        zbuf[pl.ds(i * 16, 16)] = jnp.zeros((16,), _f32)
        return 0
    lax.fori_loop(0, SSPAN // 16, _zero, 0)
    pltpu.sync_copy(zbuf, sfx.at[pl.ds(off, SSPAN)])
    pltpu.sync_copy(zbuf, sfy.at[pl.ds(off, SSPAN)])
    pltpu.sync_copy(zbuf, sfz.at[pl.ds(off, SSPAN)])
    for uc, su in ((ux, sux), (uy, suy), (uz, suz)):
        pltpu.sync_copy(uc.at[pl.ds(off, SSPAN)], zbuf)
        pltpu.sync_copy(zbuf, su.at[pl.ds(off, SSPAN)])
    plsc.subcore_barrier()

    def _zero2(i, _):
        zbuf[pl.ds(i * 16, 16)] = jnp.zeros((16,), _f32)
        return 0
    lax.fori_loop(0, CHUNK // 16, _zero2, 0)
    pltpu.sync_copy(ci.at[pl.ds(w * CHUNK, CHUNK)], bi2)
    zsrc = zbuf.at[pl.ds(0, CHUNK)]
    pltpu.async_copy(zsrc, sfx.at[bi2], sem_s, add=True)
    pltpu.async_copy(zsrc, sfy.at[bi2], sem_s, add=True)
    pltpu.async_copy(zsrc, sfz.at[bi2], sem_s, add=True)
    pltpu.async_copy(zsrc, sfx.at[bi2], sem_s, add=True)
    pltpu.async_copy(zsrc, sfy.at[bi2], sem_s, add=True)
    pltpu.async_copy(zsrc, sfz.at[bi2], sem_s, add=True)

    n_pairs = NCHUNKS // NW // 2

    def _phase(eb, mbi, mbj, mfxp, mfyp, mfzp, mfxn, mfyn, mfzn,
               prev_scatter):
        d_idx = [
            pltpu.async_copy(ci.at[pl.ds(eb, CHUNK)], mbi, sem_l),
            pltpu.async_copy(cj.at[pl.ds(eb, CHUNK)], mbj, sem_l),
        ]
        d_lin = [
            pltpu.async_copy(dx.at[pl.ds(eb, CHUNK)], bdx, sem_l),
            pltpu.async_copy(dy.at[pl.ds(eb, CHUNK)], bdy, sem_l),
            pltpu.async_copy(dz.at[pl.ds(eb, CHUNK)], bdz, sem_l),
            pltpu.async_copy(pE.at[pl.ds(eb, CHUNK)], bpE, sem_l),
            pltpu.async_copy(pA.at[pl.ds(eb, CHUNK)], bpA, sem_l),
            pltpu.async_copy(ln.at[pl.ds(eb, CHUNK)], bln, sem_l),
        ]
        for d in d_idx:
            d.wait()
        d_g = [
            pltpu.async_copy(sux.at[mbi], guix, sem_g),
            pltpu.async_copy(suy.at[mbi], guiy, sem_g),
            pltpu.async_copy(suz.at[mbi], guiz, sem_g),
            pltpu.async_copy(sux.at[mbj], gujx, sem_g),
            pltpu.async_copy(suy.at[mbj], gujy, sem_g),
            pltpu.async_copy(suz.at[mbj], gujz, sem_g),
        ]
        for d in d_lin:
            d.wait()
        for d in d_g:
            d.wait()

        def _step(k, _):
            sl = pl.ds(k * 16, 16)
            dux = gujx[sl] - guix[sl]
            duy = gujy[sl] - guiy[sl]
            duz = gujz[sl] - guiz[sl]
            dxv = bdx[sl]
            dyv = bdy[sl]
            dzv = bdz[sl]
            ax = dux * dxv + duy * dyv + duz * dzv
            f = bpE[sl] * bpA[sl] * ax / bln[sl]
            vx = f * dxv
            vy = f * dyv
            vz = f * dzv
            mfxp[sl] = vx
            mfyp[sl] = vy
            mfzp[sl] = vz
            mfxn[sl] = -vx
            mfyn[sl] = -vy
            mfzn[sl] = -vz
            return 0
        lax.fori_loop(0, CHUNK // 16, _step, 0)

        for d in prev_scatter:
            d.wait()
        return [
            pltpu.async_copy(mfxp, sfx.at[mbi], sem_s, add=True),
            pltpu.async_copy(mfyp, sfy.at[mbi], sem_s, add=True),
            pltpu.async_copy(mfzp, sfz.at[mbi], sem_s, add=True),
            pltpu.async_copy(mfxn, sfx.at[mbj], sem_s, add=True),
            pltpu.async_copy(mfyn, sfy.at[mbj], sem_s, add=True),
            pltpu.async_copy(mfzn, sfz.at[mbj], sem_s, add=True),
        ]

    def _prev_b_waits():
        return [
            pltpu.make_async_copy(fxp2, sfx.at[bi2], sem_s),
            pltpu.make_async_copy(fyp2, sfy.at[bi2], sem_s),
            pltpu.make_async_copy(fzp2, sfz.at[bi2], sem_s),
            pltpu.make_async_copy(fxn2, sfx.at[bj2], sem_s),
            pltpu.make_async_copy(fyn2, sfy.at[bj2], sem_s),
            pltpu.make_async_copy(fzn2, sfz.at[bj2], sem_s),
        ]

    def _pair(p, _):
        eb_a = ((2 * p) * NW + w) * CHUNK
        eb_b = ((2 * p + 1) * NW + w) * CHUNK
        ds_a = _phase(eb_a, bi, bj, fxp, fyp, fzp, fxn, fyn, fzn,
                      _prev_b_waits())
        ds_b = _phase(eb_b, bi2, bj2, fxp2, fyp2, fzp2, fxn2, fyn2, fzn2,
                      ds_a)
        return 0

    lax.fori_loop(0, n_pairs, _pair, 0)
    for d in _prev_b_waits():
        d.wait()

    plsc.subcore_barrier()
    for comp, sf in enumerate((sfx, sfy, sfz)):
        pltpu.sync_copy(sf.at[pl.ds(off, SSPAN)], zbuf)
        pltpu.sync_copy(zbuf, fpart.at[pl.ds((c * 3 + comp) * NPAD + off, SSPAN)])


_sc_call = functools.partial(
    pl.kernel,
    out_type=jax.ShapeDtypeStruct((6 * NPAD,), _f32),
    mesh=plsc.VectorSubcoreMesh(core_axis_name="c", subcore_axis_name="s"),
    scratch_types=[
        pltpu.VMEM((CHUNK,), _i32),
        pltpu.VMEM((CHUNK,), _i32),
        pltpu.VMEM((CHUNK,), _i32),
        pltpu.VMEM((CHUNK,), _i32),
        pltpu.VMEM((CHUNK,), _f32),
        pltpu.VMEM((CHUNK,), _f32),
        pltpu.VMEM((CHUNK,), _f32),
        pltpu.VMEM((CHUNK,), _f32),
        pltpu.VMEM((CHUNK,), _f32),
        pltpu.VMEM((CHUNK,), _f32),
        pltpu.VMEM((CHUNK,), _f32),
        pltpu.VMEM((CHUNK,), _f32),
        pltpu.VMEM((CHUNK,), _f32),
        pltpu.VMEM((CHUNK,), _f32),
        pltpu.VMEM((CHUNK,), _f32),
        pltpu.VMEM((CHUNK,), _f32),
        pltpu.VMEM((CHUNK,), _f32),
        pltpu.VMEM((CHUNK,), _f32),
        pltpu.VMEM((CHUNK,), _f32),
        pltpu.VMEM((CHUNK,), _f32),
        pltpu.VMEM((CHUNK,), _f32),
        pltpu.VMEM((CHUNK,), _f32),
        pltpu.VMEM((CHUNK,), _f32),
        pltpu.VMEM((CHUNK,), _f32),
        pltpu.VMEM((CHUNK,), _f32),
        pltpu.VMEM((CHUNK,), _f32),
        pltpu.VMEM((CHUNK,), _f32),
        pltpu.VMEM((CHUNK,), _f32),
        pltpu.VMEM((SSPAN,), _f32),
        pltpu.SemaphoreType.DMA,
        pltpu.SemaphoreType.DMA,
        pltpu.SemaphoreType.DMA,
        pltpu.VMEM_SHARED((NPAD,), _f32),
        pltpu.VMEM_SHARED((NPAD,), _f32),
        pltpu.VMEM_SHARED((NPAD,), _f32),
        pltpu.VMEM_SHARED((NPAD,), _f32),
        pltpu.VMEM_SHARED((NPAD,), _f32),
        pltpu.VMEM_SHARED((NPAD,), _f32),
    ],
)(_sc_body)


def _loss_body(fp_ref, ll_ref, bc_ref, out_ref):
    r = fp_ref[0] + fp_ref[1] + ll_ref[...]
    free = bc_ref[...] < 0.5
    free3 = jnp.broadcast_to(free, r.shape)
    masked = jnp.where(free3, r * r, jnp.zeros_like(r))
    nfree = jnp.sum(jnp.where(free, 1.0, 0.0).astype(_f32))
    out_ref[0, 0] = jnp.sum(masked) / (nfree * 3.0)


_loss_call = pl.pallas_call(
    _loss_body,
    out_shape=jax.ShapeDtypeStruct((1, 1), _f32),
    out_specs=pl.BlockSpec(memory_space=pltpu.SMEM),
)


def kernel(pred, connectivity, elem_directions, elem_lengths, prop_E, prop_A,
           line_load, bc_disp):
    padn = NPAD - N_NODES
    ux = jnp.pad(pred[:, 0], (0, padn))
    uy = jnp.pad(pred[:, 1], (0, padn))
    uz = jnp.pad(pred[:, 2], (0, padn))
    conn = connectivity.astype(_i32)
    ci = conn[:, 0]
    cj = conn[:, 1]
    dx = elem_directions[:, 0]
    dy = elem_directions[:, 1]
    dz = elem_directions[:, 2]
    fpart = _sc_call(ux, uy, uz, ci, cj, dx, dy, dz, prop_E, prop_A,
                     elem_lengths).reshape(2, 3, NPAD)
    llt = jnp.pad(line_load.T, ((0, 0), (0, padn)))
    bcp = jnp.pad(bc_disp[:, 0], (0, padn), constant_values=1.0).reshape(1, NPAD)
    loss2d = _loss_call(fpart, llt, bcp)
    return loss2d[0, 0]

# --- scband reference (transcript-rebuilt; emitter-appended) ---
"""Pipeline reference for scband-physics-loss-84043920048257 (READ-ONLY COPY).

The authoritative reference and input builder live on the scoring server;
editing this copy changes nothing except your own understanding.
"""

import jax, jax.numpy as jnp
import numpy as np

N_NODES = 100000
N_ELEMS = 6400000

def setup_inputs(seed: int = 0) -> dict:
    key = jax.random.key(seed)
    ks = jax.random.split(key, 8)
    pred = jax.random.normal(ks[0], (N_NODES, 6), dtype=jnp.float32)
    connectivity = jax.random.randint(ks[1], (N_ELEMS, 2), 0, N_NODES, dtype=jnp.int64)
    elem_directions = jax.random.normal(ks[2], (N_ELEMS, 3), dtype=jnp.float32)
    # lengths bounded away from zero for numerical stability
    elem_lengths = jax.random.uniform(ks[3], (N_ELEMS,), dtype=jnp.float32, minval=0.5, maxval=1.5)
    prop_E = jax.random.uniform(ks[4], (N_ELEMS,), dtype=jnp.float32)
    prop_A = jax.random.uniform(ks[5], (N_ELEMS,), dtype=jnp.float32)
    line_load = jax.random.normal(ks[6], (N_NODES, 3), dtype=jnp.float32)
    bc_disp = jax.random.uniform(ks[7], (N_NODES, 1), dtype=jnp.float32)
    return {
        'pred': pred,
        'connectivity': connectivity,
        'elem_directions': elem_directions,
        'elem_lengths': elem_lengths,
        'prop_E': prop_E,
        'prop_A': prop_A,
        'line_load': line_load,
        'bc_disp': bc_disp,
    }

def reference(pred, connectivity, elem_directions, elem_lengths, prop_E, prop_A, line_load, bc_disp):
    N = pred.shape[0]
    u = pred[:, :3]
    i_nodes = connectivity[:, 0]
    j_nodes = connectivity[:, 1]
    u_i = jnp.take(u, i_nodes, axis=0)
    u_j = jnp.take(u, j_nodes, axis=0)
    du = u_j - u_i
    axial_disp = (du * elem_directions).sum(axis=-1)
    F_axial = prop_E * prop_A * axial_disp / elem_lengths
    F_vec = F_axial[:, None] * elem_directions
    F_internal = jnp.zeros((N, 3), dtype=pred.dtype)
    F_internal = F_internal.at[i_nodes].add(F_vec)
    F_internal = F_internal.at[j_nodes].add(-F_vec)
    residual = F_internal + line_load
    free_mask = bc_disp[:, 0] < 0.5
    sq = residual ** 2
    masked_sq = jnp.where(free_mask[:, None], sq, jnp.zeros_like(sq))
    n_free = free_mask.sum().astype(sq.dtype) * sq.shape[1]
    loss = masked_sq.sum() / n_free
    return loss

if __name__ == "__main__":
    import jax
    _d = setup_inputs()
    print(jax.jit(kernel)(*tuple(_d.values())))

</pallas_src>

<mosaic_0001>
#map = affine_map<(d0, d1) -> (0)>
module attributes {stable_mosaic.version = 14 : i64} {
  func.func @_sc_body(%arg0: i32, %arg1: i32, %arg2: memref<100352xf32, #tpu.memory_space<hbm>>, %arg3: memref<100352xf32, #tpu.memory_space<hbm>>, %arg4: memref<100352xf32, #tpu.memory_space<hbm>>, %arg5: memref<6400000xi32, #tpu.memory_space<hbm>>, %arg6: memref<6400000xi32, #tpu.memory_space<hbm>>, %arg7: memref<6400000xf32, #tpu.memory_space<hbm>>, %arg8: memref<6400000xf32, #tpu.memory_space<hbm>>, %arg9: memref<6400000xf32, #tpu.memory_space<hbm>>, %arg10: memref<6400000xf32, #tpu.memory_space<hbm>>, %arg11: memref<6400000xf32, #tpu.memory_space<hbm>>, %arg12: memref<6400000xf32, #tpu.memory_space<hbm>>, %arg13: memref<602112xf32, #tpu.memory_space<hbm>>, %arg14: memref<2000xi32, #tpu.memory_space<vmem>>, %arg15: memref<2000xi32, #tpu.memory_space<vmem>>, %arg16: memref<2000xi32, #tpu.memory_space<vmem>>, %arg17: memref<2000xi32, #tpu.memory_space<vmem>>, %arg18: memref<2000xf32, #tpu.memory_space<vmem>>, %arg19: memref<2000xf32, #tpu.memory_space<vmem>>, %arg20: memref<2000xf32, #tpu.memory_space<vmem>>, %arg21: memref<2000xf32, #tpu.memory_space<vmem>>, %arg22: memref<2000xf32, #tpu.memory_space<vmem>>, %arg23: memref<2000xf32, #tpu.memory_space<vmem>>, %arg24: memref<2000xf32, #tpu.memory_space<vmem>>, %arg25: memref<2000xf32, #tpu.memory_space<vmem>>, %arg26: memref<2000xf32, #tpu.memory_space<vmem>>, %arg27: memref<2000xf32, #tpu.memory_space<vmem>>, %arg28: memref<2000xf32, #tpu.memory_space<vmem>>, %arg29: memref<2000xf32, #tpu.memory_space<vmem>>, %arg30: memref<2000xf32, #tpu.memory_space<vmem>>, %arg31: memref<2000xf32, #tpu.memory_space<vmem>>, %arg32: memref<2000xf32, #tpu.memory_space<vmem>>, %arg33: memref<2000xf32, #tpu.memory_space<vmem>>, %arg34: memref<2000xf32, #tpu.memory_space<vmem>>, %arg35: memref<2000xf32, #tpu.memory_space<vmem>>, %arg36: memref<2000xf32, #tpu.memory_space<vmem>>, %arg37: memref<2000xf32, #tpu.memory_space<vmem>>, %arg38: memref<2000xf32, #tpu.memory_space<vmem>>, %arg39: memref<2000xf32, #tpu.memory_space<vmem>>, %arg40: memref<2000xf32, #tpu.memory_space<vmem>>, %arg41: memref<2000xf32, #tpu.memory_space<vmem>>, %arg42: memref<6272xf32, #tpu.memory_space<vmem>>, %arg43: memref<!tpu.dma_semaphore, #tpu.memory_space<semaphore_mem>>, %arg44: memref<!tpu.dma_semaphore, #tpu.memory_space<semaphore_mem>>, %arg45: memref<!tpu.dma_semaphore, #tpu.memory_space<semaphore_mem>>, %arg46: memref<100352xf32, #tpu.memory_space<vmem_shared>>, %arg47: memref<100352xf32, #tpu.memory_space<vmem_shared>>, %arg48: memref<100352xf32, #tpu.memory_space<vmem_shared>>, %arg49: memref<100352xf32, #tpu.memory_space<vmem_shared>>, %arg50: memref<100352xf32, #tpu.memory_space<vmem_shared>>, %arg51: memref<100352xf32, #tpu.memory_space<vmem_shared>>) attributes {dimension_semantics = [#tpu.dimension_semantics<core_parallel>, #tpu.dimension_semantics<subcore_parallel>], iteration_bounds = array<i64: 2, 16>, scalar_prefetch = 0 : i64, scratch_operands = 38 : i64, tpu.core_type = #tpu.core_type<sc_vector_subcore>, window_params = [{transform_indices = #map}, {transform_indices = #map}, {transform_indices = #map}, {transform_indices = #map}, {transform_indices = #map}, {transform_indices = #map}, {transform_indices = #map}, {transform_indices = #map}, {transform_indices = #map}, {transform_indices = #map}, {transform_indices = #map}, {transform_indices = #map}]} {
    %mul3A = arith.constant 2 : i32
    %mul3A_0 = arith.muli %arg1, %mul3A : i32
    %add3A = arith.addi %mul3A_0, %arg0 : i32
    %mul3A_1 = arith.constant 6272 : i32
    %mul3A_2 = arith.muli %arg1, %mul3A_1 : i32
    %scan3A = arith.constant 0 : i32
    %scan3A_3 = arith.constant 0 : i32
    %scan3A_4 = arith.constant 392 : i32
    %scan3A_5 = arith.addi %scan3A_3, %scan3A_4 : i32
    %scan3A_6 = arith.constant 1 : i32
    %scan3A_7 = scf.for %scan3A_81 = %scan3A_3 to %scan3A_5 step %scan3A_6 iter_args(%scan3A_82 = %scan3A) -> (i32)  : i32 {
      %broadcast_in_dim3A = arith.constant 0.000000e+00 : f32
      %broadcast_in_dim3A_83 = vector.broadcast %broadcast_in_dim3A : f32 to vector<16xf32>
      %mul3A_84 = arith.constant 16 : i32
      %mul3A_85 = arith.muli %scan3A_81, %mul3A_84 : i32
      %swap3A = arith.index_cast %mul3A_85 : i32 to index
      %swap3A_86 = tpu.vector_load %arg42[%swap3A] {strides = array<i32>} : memref<6272xf32, #tpu.memory_space<vmem>>, vector<16xf32>,
      %swap3A_87 = vector.shape_cast %swap3A_86 : vector<16xf32> to vector<16xf32>
      %swap3A_88 = vector.shape_cast %broadcast_in_dim3A_83 : vector<16xf32> to vector<16xf32>
      tpu.vector_store %arg42[%swap3A], %swap3A_88 {strides = array<i32>} : memref<6272xf32, #tpu.memory_space<vmem>>, vector<16xf32>,
      %scan3A_89 = arith.constant 0 : i32
      scf.yield %scan3A_89 : i32
    }
    %scan3A_8 = arith.constant 392 : i32
    "tpu.region"() ({
      %run_scoped3A = tpu.sem_alloc : memref<!tpu.dma_semaphore, #tpu.memory_space<semaphore_mem>>
      %dma_start3A_81 = tpu.memref_slice %arg49[%mul3A_2] : memref<100352xf32, #tpu.memory_space<vmem_shared>> -> memref<6272xf32, #tpu.memory_space<vmem_shared>>
      %dma_start3A_82 = tpu.memref_slice %arg49[%mul3A_2] : memref<100352xf32, #tpu.memory_space<vmem_shared>> -> memref<6272xf32, #tpu.memory_space<vmem_shared>>
      tpu.enqueue_dma source(%arg42 : memref<6272xf32, #tpu.memory_space<vmem>>) target(%dma_start3A_82 : memref<6272xf32, #tpu.memory_space<vmem_shared>>) target_semaphore(%run_scoped3A : memref<!tpu.dma_semaphore, #tpu.memory_space<semaphore_mem>>)
      %dma_wait3A_83 = tpu.memref_slice %arg49[%mul3A_2] : memref<100352xf32, #tpu.memory_space<vmem_shared>> -> memref<6272xf32, #tpu.memory_space<vmem_shared>>
      %dma_wait3A_84 = tpu.memref_slice %arg49[%mul3A_2] : memref<100352xf32, #tpu.memory_space<vmem_shared>> -> memref<6272xf32, #tpu.memory_space<vmem_shared>>
      tpu.wait_dma2 semaphore(%run_scoped3A : memref<!tpu.dma_semaphore, #tpu.memory_space<semaphore_mem>>) src(%arg42 : memref<6272xf32, #tpu.memory_space<vmem>>) dst(%dma_wait3A_84 : memref<6272xf32, #tpu.memory_space<vmem_shared>>)
      tpu.yield
    }) : () -> ()
    "tpu.region"() ({
      %run_scoped3A = tpu.sem_alloc : memref<!tpu.dma_semaphore, #tpu.memory_space<semaphore_mem>>
      %dma_start3A_81 = tpu.memref_slice %arg50[%mul3A_2] : memref<100352xf32, #tpu.memory_space<vmem_shared>> -> memref<6272xf32, #tpu.memory_space<vmem_shared>>
      %dma_start3A_82 = tpu.memref_slice %arg50[%mul3A_2] : memref<100352xf32, #tpu.memory_space<vmem_shared>> -> memref<6272xf32, #tpu.memory_space<vmem_shared>>
      tpu.enqueue_dma source(%arg42 : memref<6272xf32, #tpu.memory_space<vmem>>) target(%dma_start3A_82 : memref<6272xf32, #tpu.memory_space<vmem_shared>>) target_semaphore(%run_scoped3A : memref<!tpu.dma_semaphore, #tpu.memory_space<semaphore_mem>>)
      %dma_wait3A_83 = tpu.memref_slice %arg50[%mul3A_2] : memref<100352xf32, #tpu.memory_space<vmem_shared>> -> memref<6272xf32, #tpu.memory_space<vmem_shared>>
      %dma_wait3A_84 = tpu.memref_slice %arg50[%mul3A_2] : memref<100352xf32, #tpu.memory_space<vmem_shared>> -> memref<6272xf32, #tpu.memory_space<vmem_shared>>
      tpu.wait_dma2 semaphore(%run_scoped3A : memref<!tpu.dma_semaphore, #tpu.memory_space<semaphore_mem>>) src(%arg42 : memref<6272xf32, #tpu.memory_space<vmem>>) dst(%dma_wait3A_84 : memref<6272xf32, #tpu.memory_space<vmem_shared>>)
      tpu.yield
    }) : () -> ()
    "tpu.region"() ({
      %run_scoped3A = tpu.sem_alloc : memref<!tpu.dma_semaphore, #tpu.memory_space<semaphore_mem>>
      %dma_start3A_81 = tpu.memref_slice %arg51[%mul3A_2] : memref<100352xf32, #tpu.memory_space<vmem_shared>> -> memref<6272xf32, #tpu.memory_space<vmem_shared>>
      %dma_start3A_82 = tpu.memref_slice %arg51[%mul3A_2] : memref<100352xf32, #tpu.memory_space<vmem_shared>> -> memref<6272xf32, #tpu.memory_space<vmem_shared>>
      tpu.enqueue_dma source(%arg42 : memref<6272xf32, #tpu.memory_space<vmem>>) target(%dma_start3A_82 : memref<6272xf32, #tpu.memory_space<vmem_shared>>) target_semaphore(%run_scoped3A : memref<!tpu.dma_semaphore, #tpu.memory_space<semaphore_mem>>)
      %dma_wait3A_83 = tpu.memref_slice %arg51[%mul3A_2] : memref<100352xf32, #tpu.memory_space<vmem_shared>> -> memref<6272xf32, #tpu.memory_space<vmem_shared>>
      %dma_wait3A_84 = tpu.memref_slice %arg51[%mul3A_2] : memref<100352xf32, #tpu.memory_space<vmem_shared>> -> memref<6272xf32, #tpu.memory_space<vmem_shared>>
      tpu.wait_dma2 semaphore(%run_scoped3A : memref<!tpu.dma_semaphore, #tpu.memory_space<semaphore_mem>>) src(%arg42 : memref<6272xf32, #tpu.memory_space<vmem>>) dst(%dma_wait3A_84 : memref<6272xf32, #tpu.memory_space<vmem_shared>>)
      tpu.yield
    }) : () -> ()
    "tpu.region"() ({
      %run_scoped3A = tpu.sem_alloc : memref<!tpu.dma_semaphore, #tpu.memory_space<semaphore_mem>>
      %dma_start3A_81 = tpu.memref_slice %arg2[%mul3A_2] : memref<100352xf32, #tpu.memory_space<hbm>> -> memref<6272xf32, #tpu.memory_space<hbm>>
      %dma_start3A_82 = tpu.memref_slice %arg2[%mul3A_2] : memref<100352xf32, #tpu.memory_space<hbm>> -> memref<6272xf32, #tpu.memory_space<hbm>>
      tpu.enqueue_dma source(%dma_start3A_82 : memref<6272xf32, #tpu.memory_space<hbm>>) target(%arg42 : memref<6272xf32, #tpu.memory_space<vmem>>) target_semaphore(%run_scoped3A : memref<!tpu.dma_semaphore, #tpu.memory_space<semaphore_mem>>)
      %dma_wait3A_83 = tpu.memref_slice %arg2[%mul3A_2] : memref<100352xf32, #tpu.memory_space<hbm>> -> memref<6272xf32, #tpu.memory_space<hbm>>
      %dma_wait3A_84 = tpu.memref_slice %arg2[%mul3A_2] : memref<100352xf32, #tpu.memory_space<hbm>> -> memref<6272xf32, #tpu.memory_space<hbm>>
      tpu.wait_dma2 semaphore(%run_scoped3A : memref<!tpu.dma_semaphore, #tpu.memory_space<semaphore_mem>>) src(%dma_wait3A_84 : memref<6272xf32, #tpu.memory_space<hbm>>) dst(%arg42 : memref<6272xf32, #tpu.memory_space<vmem>>)
      tpu.yield
    }) : () -> ()
    "tpu.region"() ({
      %run_scoped3A = tpu.sem_alloc : memref<!tpu.dma_semaphore, #tpu.memory_space<semaphore_mem>>
      %dma_start3A_81 = tpu.memref_slice %arg46[%mul3A_2] : memref<100352xf32, #tpu.memory_space<vmem_shared>> -> memref<6272xf32, #tpu.memory_space<vmem_shared>>
      %dma_start3A_82 = tpu.memref_slice %arg46[%mul3A_2] : memref<100352xf32, #tpu.memory_space<vmem_shared>> -> memref<6272xf32, #tpu.memory_space<vmem_shared>>
      tpu.enqueue_dma source(%arg42 : memref<6272xf32, #tpu.memory_space<vmem>>) target(%dma_start3A_82 : memref<6272xf32, #tpu.memory_space<vmem_shared>>) target_semaphore(%run_scoped3A : memref<!tpu.dma_semaphore, #tpu.memory_space<semaphore_mem>>)
      %dma_wait3A_83 = tpu.memref_slice %arg46[%mul3A_2] : memref<100352xf32, #tpu.memory_space<vmem_shared>> -> memref<6272xf32, #tpu.memory_space<vmem_shared>>
      %dma_wait3A_84 = tpu.memref_slice %arg46[%mul3A_2] : memref<100352xf32, #tpu.memory_space<vmem_shared>> -> memref<6272xf32, #tpu.memory_space<vmem_shared>>
      tpu.wait_dma2 semaphore(%run_scoped3A : memref<!tpu.dma_semaphore, #tpu.memory_space<semaphore_mem>>) src(%arg42 : memref<6272xf32, #tpu.memory_space<vmem>>) dst(%dma_wait3A_84 : memref<6272xf32, #tpu.memory_space<vmem_shared>>)
      tpu.yield
    }) : () -> ()
    "tpu.region"() ({
      %run_scoped3A = tpu.sem_alloc : memref<!tpu.dma_semaphore, #tpu.memory_space<semaphore_mem>>
      %dma_start3A_81 = tpu.memref_slice %arg3[%mul3A_2] : memref<100352xf32, #tpu.memory_space<hbm>> -> memref<6272xf32, #tpu.memory_space<hbm>>
      %dma_start3A_82 = tpu.memref_slice %arg3[%mul3A_2] : memref<100352xf32, #tpu.memory_space<hbm>> -> memref<6272xf32, #tpu.memory_space<hbm>>
      tpu.enqueue_dma source(%dma_start3A_82 : memref<6272xf32, #tpu.memory_space<hbm>>) target(%arg42 : memref<6272xf32, #tpu.memory_space<vmem>>) target_semaphore(%run_scoped3A : memref<!tpu.dma_semaphore, #tpu.memory_space<semaphore_mem>>)
      %dma_wait3A_83 = tpu.memref_slice %arg3[%mul3A_2] : memref<100352xf32, #tpu.memory_space<hbm>> -> memref<6272xf32, #tpu.memory_space<hbm>>
      %dma_wait3A_84 = tpu.memref_slice %arg3[%mul3A_2] : memref<100352xf32, #tpu.memory_space<hbm>> -> memref<6272xf32, #tpu.memory_space<hbm>>
      tpu.wait_dma2 semaphore(%run_scoped3A : memref<!tpu.dma_semaphore, #tpu.memory_space<semaphore_mem>>) src(%dma_wait3A_84 : memref<6272xf32, #tpu.memory_space<hbm>>) dst(%arg42 : memref<6272xf32, #tpu.memory_space<vmem>>)
      tpu.yield
    }) : () -> ()
    "tpu.region"() ({
      %run_scoped3A = tpu.sem_alloc : memref<!tpu.dma_semaphore, #tpu.memory_space<semaphore_mem>>
      %dma_start3A_81 = tpu.memref_slice %arg47[%mul3A_2] : memref<100352xf32, #tpu.memory_space<vmem_shared>> -> memref<6272xf32, #tpu.memory_space<vmem_shared>>
      %dma_start3A_82 = tpu.memref_slice %arg47[%mul3A_2] : memref<100352xf32, #tpu.memory_space<vmem_shared>> -> memref<6272xf32, #tpu.memory_space<vmem_shared>>
      tpu.enqueue_dma source(%arg42 : memref<6272xf32, #tpu.memory_space<vmem>>) target(%dma_start3A_82 : memref<6272xf32, #tpu.memory_space<vmem_shared>>) target_semaphore(%run_scoped3A : memref<!tpu.dma_semaphore, #tpu.memory_space<semaphore_mem>>)
      %dma_wait3A_83 = tpu.memref_slice %arg47[%mul3A_2] : memref<100352xf32, #tpu.memory_space<vmem_shared>> -> memref<6272xf32, #tpu.memory_space<vmem_shared>>
      %dma_wait3A_84 = tpu.memref_slice %arg47[%mul3A_2] : memref<100352xf32, #tpu.memory_space<vmem_shared>> -> memref<6272xf32, #tpu.memory_space<vmem_shared>>
      tpu.wait_dma2 semaphore(%run_scoped3A : memref<!tpu.dma_semaphore, #tpu.memory_space<semaphore_mem>>) src(%arg42 : memref<6272xf32, #tpu.memory_space<vmem>>) dst(%dma_wait3A_84 : memref<6272xf32, #tpu.memory_space<vmem_shared>>)
      tpu.yield
    }) : () -> ()
    "tpu.region"() ({
      %run_scoped3A = tpu.sem_alloc : memref<!tpu.dma_semaphore, #tpu.memory_space<semaphore_mem>>
      %dma_start3A_81 = tpu.memref_slice %arg4[%mul3A_2] : memref<100352xf32, #tpu.memory_space<hbm>> -> memref<6272xf32, #tpu.memory_space<hbm>>
      %dma_start3A_82 = tpu.memref_slice %arg4[%mul3A_2] : memref<100352xf32, #tpu.memory_space<hbm>> -> memref<6272xf32, #tpu.memory_space<hbm>>
      tpu.enqueue_dma source(%dma_start3A_82 : memref<6272xf32, #tpu.memory_space<hbm>>) target(%arg42 : memref<6272xf32, #tpu.memory_space<vmem>>) target_semaphore(%run_scoped3A : memref<!tpu.dma_semaphore, #tpu.memory_space<semaphore_mem>>)
      %dma_wait3A_83 = tpu.memref_slice %arg4[%mul3A_2] : memref<100352xf32, #tpu.memory_space<hbm>> -> memref<6272xf32, #tpu.memory_space<hbm>>
      %dma_wait3A_84 = tpu.memref_slice %arg4[%mul3A_2] : memref<100352xf32, #tpu.memory_space<hbm>> -> memref<6272xf32, #tpu.memory_space<hbm>>
      tpu.wait_dma2 semaphore(%run_scoped3A : memref<!tpu.dma_semaphore, #tpu.memory_space<semaphore_mem>>) src(%dma_wait3A_84 : memref<6272xf32, #tpu.memory_space<hbm>>) dst(%arg42 : memref<6272xf32, #tpu.memory_space<vmem>>)
      tpu.yield
    }) : () -> ()
    "tpu.region"() ({
      %run_scoped3A = tpu.sem_alloc : memref<!tpu.dma_semaphore, #tpu.memory_space<semaphore_mem>>
      %dma_start3A_81 = tpu.memref_slice %arg48[%mul3A_2] : memref<100352xf32, #tpu.memory_space<vmem_shared>> -> memref<6272xf32, #tpu.memory_space<vmem_shared>>
      %dma_start3A_82 = tpu.memref_slice %arg48[%mul3A_2] : memref<100352xf32, #tpu.memory_space<vmem_shared>> -> memref<6272xf32, #tpu.memory_space<vmem_shared>>
      tpu.enqueue_dma source(%arg42 : memref<6272xf32, #tpu.memory_space<vmem>>) target(%dma_start3A_82 : memref<6272xf32, #tpu.memory_space<vmem_shared>>) target_semaphore(%run_scoped3A : memref<!tpu.dma_semaphore, #tpu.memory_space<semaphore_mem>>)
      %dma_wait3A_83 = tpu.memref_slice %arg48[%mul3A_2] : memref<100352xf32, #tpu.memory_space<vmem_shared>> -> memref<6272xf32, #tpu.memory_space<vmem_shared>>
      %dma_wait3A_84 = tpu.memref_slice %arg48[%mul3A_2] : memref<100352xf32, #tpu.memory_space<vmem_shared>> -> memref<6272xf32, #tpu.memory_space<vmem_shared>>
      tpu.wait_dma2 semaphore(%run_scoped3A : memref<!tpu.dma_semaphore, #tpu.memory_space<semaphore_mem>>) src(%arg42 : memref<6272xf32, #tpu.memory_space<vmem>>) dst(%dma_wait3A_84 : memref<6272xf32, #tpu.memory_space<vmem_shared>>)
      tpu.yield
    }) : () -> ()
    %barrier3A = arith.constant 0 : index
    tpu.barrier barrier_id(%barrier3A)
    %scan3A_9 = arith.constant 0 : i32
    %scan3A_10 = arith.constant 0 : i32
    %scan3A_11 = arith.constant 125 : i32
    %scan3A_12 = arith.addi %scan3A_10, %scan3A_11 : i32
    %scan3A_13 = arith.constant 1 : i32
    %scan3A_14 = scf.for %scan3A_81 = %scan3A_10 to %scan3A_12 step %scan3A_13 iter_args(%scan3A_82 = %scan3A_9) -> (i32)  : i32 {
      %broadcast_in_dim3A = arith.constant 0.000000e+00 : f32
      %broadcast_in_dim3A_83 = vector.broadcast %broadcast_in_dim3A : f32 to vector<16xf32>
      %mul3A_84 = arith.constant 16 : i32
      %mul3A_85 = arith.muli %scan3A_81, %mul3A_84 : i32
      %swap3A = arith.index_cast %mul3A_85 : i32 to index
      %swap3A_86 = tpu.vector_load %arg42[%swap3A] {strides = array<i32>} : memref<6272xf32, #tpu.memory_space<vmem>>, vector<16xf32>,
      %swap3A_87 = vector.shape_cast %swap3A_86 : vector<16xf32> to vector<16xf32>
      %swap3A_88 = vector.shape_cast %broadcast_in_dim3A_83 : vector<16xf32> to vector<16xf32>
      tpu.vector_store %arg42[%swap3A], %swap3A_88 {strides = array<i32>} : memref<6272xf32, #tpu.memory_space<vmem>>, vector<16xf32>,
      %scan3A_89 = arith.constant 0 : i32
      scf.yield %scan3A_89 : i32
    }
    %scan3A_15 = arith.constant 125 : i32
    %mul3A_16 = arith.constant 2000 : i32
    %mul3A_17 = arith.muli %add3A, %mul3A_16 : i32
    "tpu.region"() ({
      %run_scoped3A = tpu.sem_alloc : memref<!tpu.dma_semaphore, #tpu.memory_space<semaphore_mem>>
      %dma_start3A_81 = tpu.memref_slice %arg5[%mul3A_17] : memref<6400000xi32, #tpu.memory_space<hbm>> -> memref<2000xi32, #tpu.memory_space<hbm>>
      %dma_start3A_82 = tpu.memref_slice %arg5[%mul3A_17] : memref<6400000xi32, #tpu.memory_space<hbm>> -> memref<2000xi32, #tpu.memory_space<hbm>>
      tpu.enqueue_dma source(%dma_start3A_82 : memref<2000xi32, #tpu.memory_space<hbm>>) target(%arg16 : memref<2000xi32, #tpu.memory_space<vmem>>) target_semaphore(%run_scoped3A : memref<!tpu.dma_semaphore, #tpu.memory_space<semaphore_mem>>)
      %dma_wait3A_83 = tpu.memref_slice %arg5[%mul3A_17] : memref<6400000xi32, #tpu.memory_space<hbm>> -> memref<2000xi32, #tpu.memory_space<hbm>>
      %dma_wait3A_84 = tpu.memref_slice %arg5[%mul3A_17] : memref<6400000xi32, #tpu.memory_space<hbm>> -> memref<2000xi32, #tpu.memory_space<hbm>>
      tpu.wait_dma2 semaphore(%run_scoped3A : memref<!tpu.dma_semaphore, #tpu.memory_space<semaphore_mem>>) src(%dma_wait3A_84 : memref<2000xi32, #tpu.memory_space<hbm>>) dst(%arg16 : memref<2000xi32, #tpu.memory_space<vmem>>)
      tpu.yield
    }) : () -> ()
    %dma_start3A = arith.constant 0 : i32
    %dma_start3A_18 = tpu.memref_slice %arg42[%dma_start3A] : memref<6272xf32, #tpu.memory_space<vmem>> -> memref<2000xf32, #tpu.memory_space<vmem>>
    %dma_start3A_19 = arith.constant 0 : i32
    %dma_start3A_20 = tpu.memref_slice %arg49[%dma_start3A_19] : memref<100352xf32, #tpu.memory_space<vmem_shared>> -> memref<100352xf32, #tpu.memory_space<vmem_shared>>
    tpu.enqueue_indirect_dma source(%dma_start3A_18 : memref<2000xf32, #tpu.memory_space<vmem>>) target(%dma_start3A_20 : memref<100352xf32, #tpu.memory_space<vmem_shared>>) offsets(%arg16 : memref<2000xi32, #tpu.memory_space<vmem>>) semaphore(%arg45 : memref<!tpu.dma_semaphore, #tpu.memory_space<semaphore_mem>>) {add = true}
    %dma_start3A_21 = arith.constant 0 : i32
    %dma_start3A_22 = tpu.memref_slice %arg42[%dma_start3A_21] : memref<6272xf32, #tpu.memory_space<vmem>> -> memref<2000xf32, #tpu.memory_space<vmem>>
    %dma_start3A_23 = arith.constant 0 : i32
    %dma_start3A_24 = tpu.memref_slice %arg50[%dma_start3A_23] : memref<100352xf32, #tpu.memory_space<vmem_shared>> -> memref<100352xf32, #tpu.memory_space<vmem_shared>>
    tpu.enqueue_indirect_dma source(%dma_start3A_22 : memref<2000xf32, #tpu.memory_space<vmem>>) target(%dma_start3A_24 : memref<100352xf32, #tpu.memory_space<vmem_shared>>) offsets(%arg16 : memref<2000xi32, #tpu.memory_space<vmem>>) semaphore(%arg45 : memref<!tpu.dma_semaphore, #tpu.memory_space<semaphore_mem>>) {add = true}
    %dma_start3A_25 = arith.constant 0 : i32
    %dma_start3A_26 = tpu.memref_slice %arg42[%dma_start3A_25] : memref<6272xf32, #tpu.memory_space<vmem>> -> memref<2000xf32, #tpu.memory_space<vmem>>
    %dma_start3A_27 = arith.constant 0 : i32
    %dma_start3A_28 = tpu.memref_slice %arg51[%dma_start3A_27] : memref<100352xf32, #tpu.memory_space<vmem_shared>> -> memref<100352xf32, #tpu.memory_space<vmem_shared>>
    tpu.enqueue_indirect_dma source(%dma_start3A_26 : memref<2000xf32, #tpu.memory_space<vmem>>) target(%dma_start3A_28 : memref<100352xf32, #tpu.memory_space<vmem_shared>>) offsets(%arg16 : memref<2000xi32, #tpu.memory_space<vmem>>) semaphore(%arg45 : memref<!tpu.dma_semaphore, #tpu.memory_space<semaphore_mem>>) {add = true}
    %dma_start3A_29 = arith.constant 0 : i32
    %dma_start3A_30 = tpu.memref_slice %arg42[%dma_start3A_29] : memref<6272xf32, #tpu.memory_space<vmem>> -> memref<2000xf32, #tpu.memory_space<vmem>>
    %dma_start3A_31 = arith.constant 0 : i32
    %dma_start3A_32 = tpu.memref_slice %arg49[%dma_start3A_31] : memref<100352xf32, #tpu.memory_space<vmem_shared>> -> memref<100352xf32, #tpu.memory_space<vmem_shared>>
    tpu.enqueue_indirect_dma source(%dma_start3A_30 : memref<2000xf32, #tpu.memory_space<vmem>>) target(%dma_start3A_32 : memref<100352xf32, #tpu.memory_space<vmem_shared>>) offsets(%arg16 : memref<2000xi32, #tpu.memory_space<vmem>>) semaphore(%arg45 : memref<!tpu.dma_semaphore, #tpu.memory_space<semaphore_mem>>) {add = true}
    %dma_start3A_33 = arith.constant 0 : i32
    %dma_start3A_34 = tpu.memref_slice %arg42[%dma_start3A_33] : memref<6272xf32, #tpu.memory_space<vmem>> -> memref<2000xf32, #tpu.memory_space<vmem>>
    %dma_start3A_35 = arith.constant 0 : i32
    %dma_start3A_36 = tpu.memref_slice %arg50[%dma_start3A_35] : memref<100352xf32, #tpu.memory_space<vmem_shared>> -> memref<100352xf32, #tpu.memory_space<vmem_shared>>
    tpu.enqueue_indirect_dma source(%dma_start3A_34 : memref<2000xf32, #tpu.memory_space<vmem>>) target(%dma_start3A_36 : memref<100352xf32, #tpu.memory_space<vmem_shared>>) offsets(%arg16 : memref<2000xi32, #tpu.memory_space<vmem>>) semaphore(%arg45 : memref<!tpu.dma_semaphore, #tpu.memory_space<semaphore_mem>>) {add = true}
    %dma_start3A_37 = arith.constant 0 : i32
    %dma_start3A_38 = tpu.memref_slice %arg42[%dma_start3A_37] : memref<6272xf32, #tpu.memory_space<vmem>> -> memref<2000xf32, #tpu.memory_space<vmem>>
    %dma_start3A_39 = arith.constant 0 : i32
    %dma_start3A_40 = tpu.memref_slice %arg51[%dma_start3A_39] : memref<100352xf32, #tpu.memory_space<vmem_shared>> -> memref<100352xf32, #tpu.memory_space<vmem_shared>>
    tpu.enqueue_indirect_dma source(%dma_start3A_38 : memref<2000xf32, #tpu.memory_space<vmem>>) target(%dma_start3A_40 : memref<100352xf32, #tpu.memory_space<vmem_shared>>) offsets(%arg16 : memref<2000xi32, #tpu.memory_space<vmem>>) semaphore(%arg45 : memref<!tpu.dma_semaphore, #tpu.memory_space<semaphore_mem>>) {add = true}
    %scan3A_41 = arith.constant 0 : i32
    %scan3A_42 = arith.constant 0 : i32
    %scan3A_43 = arith.constant 50 : i32
    %scan3A_44 = arith.addi %scan3A_42, %scan3A_43 : i32
    %scan3A_45 = arith.constant 1 : i32
    %scan3A_46 = scf.for %scan3A_81 = %scan3A_42 to %scan3A_44 step %scan3A_45 iter_args(%scan3A_82 = %scan3A_41) -> (i32)  : i32 {
      %mul3A_83 = arith.constant 2 : i32
      %mul3A_84 = arith.muli %mul3A_83, %scan3A_81 : i32
      %mul3A_85 = arith.constant 32 : i32
      %mul3A_86 = arith.muli %mul3A_84, %mul3A_85 : i32
      %add3A_87 = arith.addi %mul3A_86, %add3A : i32
      %mul3A_88 = arith.constant 2000 : i32
      %mul3A_89 = arith.muli %add3A_87, %mul3A_88 : i32
      %mul3A_90 = arith.constant 2 : i32
      %mul3A_91 = arith.muli %mul3A_90, %scan3A_81 : i32
      %add3A_92 = arith.constant 1 : i32
      %add3A_93 = arith.addi %mul3A_91, %add3A_92 : i32
      %mul3A_94 = arith.constant 32 : i32
      %mul3A_95 = arith.muli %add3A_93, %mul3A_94 : i32
      %add3A_96 = arith.addi %mul3A_95, %add3A : i32
      %mul3A_97 = arith.constant 2000 : i32
      %mul3A_98 = arith.muli %add3A_96, %mul3A_97 : i32
      %dma_start3A_99 = tpu.memref_slice %arg5[%mul3A_89] : memref<6400000xi32, #tpu.memory_space<hbm>> -> memref<2000xi32, #tpu.memory_space<hbm>>
      %dma_start3A_100 = tpu.memref_slice %arg5[%mul3A_89] : memref<6400000xi32, #tpu.memory_space<hbm>> -> memref<2000xi32, #tpu.memory_space<hbm>>
      tpu.enqueue_dma source(%dma_start3A_100 : memref<2000xi32, #tpu.memory_space<hbm>>) target(%arg14 : memref<2000xi32, #tpu.memory_space<vmem>>) target_semaphore(%arg43 : memref<!tpu.dma_semaphore, #tpu.memory_space<semaphore_mem>>)
      %dma_start3A_101 = tpu.memref_slice %arg6[%mul3A_89] : memref<6400000xi32, #tpu.memory_space<hbm>> -> memref<2000xi32, #tpu.memory_space<hbm>>
      %dma_start3A_102 = tpu.memref_slice %arg6[%mul3A_89] : memref<6400000xi32, #tpu.memory_space<hbm>> -> memref<2000xi32, #tpu.memory_space<hbm>>
      tpu.enqueue_dma source(%dma_start3A_102 : memref<2000xi32, #tpu.memory_space<hbm>>) target(%arg15 : memref<2000xi32, #tpu.memory_space<vmem>>) target_semaphore(%arg43 : memref<!tpu.dma_semaphore, #tpu.memory_space<semaphore_mem>>)
      %dma_start3A_103 = tpu.memref_slice %arg7[%mul3A_89] : memref<6400000xf32, #tpu.memory_space<hbm>> -> memref<2000xf32, #tpu.memory_space<hbm>>
      %dma_start3A_104 = tpu.memref_slice %arg7[%mul3A_89] : memref<6400000xf32, #tpu.memory_space<hbm>> -> memref<2000xf32, #tpu.memory_space<hbm>>
      tpu.enqueue_dma source(%dma_start3A_104 : memref<2000xf32, #tpu.memory_space<hbm>>) target(%arg18 : memref<2000xf32, #tpu.memory_space<vmem>>) target_semaphore(%arg43 : memref<!tpu.dma_semaphore, #tpu.memory_space<semaphore_mem>>)
      %dma_start3A_105 = tpu.memref_slice %arg8[%mul3A_89] : memref<6400000xf32, #tpu.memory_space<hbm>> -> memref<2000xf32, #tpu.memory_space<hbm>>
      %dma_start3A_106 = tpu.memref_slice %arg8[%mul3A_89] : memref<6400000xf32, #tpu.memory_space<hbm>> -> memref<2000xf32, #tpu.memory_space<hbm>>
      tpu.enqueue_dma source(%dma_start3A_106 : memref<2000xf32, #tpu.memory_space<hbm>>) target(%arg19 : memref<2000xf32, #tpu.memory_space<vmem>>) target_semaphore(%arg43 : memref<!tpu.dma_semaphore, #tpu.memory_space<semaphore_mem>>)
      %dma_start3A_107 = tpu.memref_slice %arg9[%mul3A_89] : memref<6400000xf32, #tpu.memory_space<hbm>> -> memref<2000xf32, #tpu.memory_space<hbm>>
      %dma_start3A_108 = tpu.memref_slice %arg9[%mul3A_89] : memref<6400000xf32, #tpu.memory_space<hbm>> -> memref<2000xf32, #tpu.memory_space<hbm>>
      tpu.enqueue_dma source(%dma_start3A_108 : memref<2000xf32, #tpu.memory_space<hbm>>) target(%arg20 : memref<2000xf32, #tpu.memory_space<vmem>>) target_semaphore(%arg43 : memref<!tpu.dma_semaphore, #tpu.memory_space<semaphore_mem>>)
      %dma_start3A_109 = tpu.memref_slice %arg10[%mul3A_89] : memref<6400000xf32, #tpu.memory_space<hbm>> -> memref<2000xf32, #tpu.memory_space<hbm>>
      %dma_start3A_110 = tpu.memref_slice %arg10[%mul3A_89] : memref<6400000xf32, #tpu.memory_space<hbm>> -> memref<2000xf32, #tpu.memory_space<hbm>>
      tpu.enqueue_dma source(%dma_start3A_110 : memref<2000xf32, #tpu.memory_space<hbm>>) target(%arg21 : memref<2000xf32, #tpu.memory_space<vmem>>) target_semaphore(%arg43 : memref<!tpu.dma_semaphore, #tpu.memory_space<semaphore_mem>>)
      %dma_start3A_111 = tpu.memref_slice %arg11[%mul3A_89] : memref<6400000xf32, #tpu.memory_space<hbm>> -> memref<2000xf32, #tpu.memory_space<hbm>>
      %dma_start3A_112 = tpu.memref_slice %arg11[%mul3A_89] : memref<6400000xf32, #tpu.memory_space<hbm>> -> memref<2000xf32, #tpu.memory_space<hbm>>
      tpu.enqueue_dma source(%dma_start3A_112 : memref<2000xf32, #tpu.memory_space<hbm>>) target(%arg22 : memref<2000xf32, #tpu.memory_space<vmem>>) target_semaphore(%arg43 : memref<!tpu.dma_semaphore, #tpu.memory_space<semaphore_mem>>)
      %dma_start3A_113 = tpu.memref_slice %arg12[%mul3A_89] : memref<6400000xf32, #tpu.memory_space<hbm>> -> memref<2000xf32, #tpu.memory_space<hbm>>
      %dma_start3A_114 = tpu.memref_slice %arg12[%mul3A_89] : memref<6400000xf32, #tpu.memory_space<hbm>> -> memref<2000xf32, #tpu.memory_space<hbm>>
      tpu.enqueue_dma source(%dma_start3A_114 : memref<2000xf32, #tpu.memory_space<hbm>>) target(%arg23 : memref<2000xf32, #tpu.memory_space<vmem>>) target_semaphore(%arg43 : memref<!tpu.dma_semaphore, #tpu.memory_space<semaphore_mem>>)
      %dma_wait3A_115 = tpu.memref_slice %arg5[%mul3A_89] : memref<6400000xi32, #tpu.memory_space<hbm>> -> memref<2000xi32, #tpu.memory_space<hbm>>
      %dma_wait3A_116 = tpu.memref_slice %arg5[%mul3A_89] : memref<6400000xi32, #tpu.memory_space<hbm>> -> memref<2000xi32, #tpu.memory_space<hbm>>
      tpu.wait_dma2 semaphore(%arg43 : memref<!tpu.dma_semaphore, #tpu.memory_space<semaphore_mem>>) src(%dma_wait3A_116 : memref<2000xi32, #tpu.memory_space<hbm>>) dst(%arg14 : memref<2000xi32, #tpu.memory_space<vmem>>)
      %dma_wait3A_117 = tpu.memref_slice %arg6[%mul3A_89] : memref<6400000xi32, #tpu.memory_space<hbm>> -> memref<2000xi32, #tpu.memory_space<hbm>>
      %dma_wait3A_118 = tpu.memref_slice %arg6[%mul3A_89] : memref<6400000xi32, #tpu.memory_space<hbm>> -> memref<2000xi32, #tpu.memory_space<hbm>>
      tpu.wait_dma2 semaphore(%arg43 : memref<!tpu.dma_semaphore, #tpu.memory_space<semaphore_mem>>) src(%dma_wait3A_118 : memref<2000xi32, #tpu.memory_space<hbm>>) dst(%arg15 : memref<2000xi32, #tpu.memory_space<vmem>>)
      %dma_start3A_119 = arith.constant 0 : i32
      %dma_start3A_120 = tpu.memref_slice %arg46[%dma_start3A_119] : memref<100352xf32, #tpu.memory_space<vmem_shared>> -> memref<100352xf32, #tpu.memory_space<vmem_shared>>
      tpu.enqueue_indirect_dma source(%dma_start3A_120 : memref<100352xf32, #tpu.memory_space<vmem_shared>>) target(%arg24 : memref<2000xf32, #tpu.memory_space<vmem>>) offsets(%arg14 : memref<2000xi32, #tpu.memory_space<vmem>>) semaphore(%arg44 : memref<!tpu.dma_semaphore, #tpu.memory_space<semaphore_mem>>)
      %dma_start3A_121 = arith.constant 0 : i32
      %dma_start3A_122 = tpu.memref_slice %arg47[%dma_start3A_121] : memref<100352xf32, #tpu.memory_space<vmem_shared>> -> memref<100352xf32, #tpu.memory_space<vmem_shared>>
      tpu.enqueue_indirect_dma source(%dma_start3A_122 : memref<100352xf32, #tpu.memory_space<vmem_shared>>) target(%arg25 : memref<2000xf32, #tpu.memory_space<vmem>>) offsets(%arg14 : memref<2000xi32, #tpu.memory_space<vmem>>) semaphore(%arg44 : memref<!tpu.dma_semaphore, #tpu.memory_space<semaphore_mem>>)
      %dma_start3A_123 = arith.constant 0 : i32
      %dma_start3A_124 = tpu.memref_slice %arg48[%dma_start3A_123] : memref<100352xf32, #tpu.memory_space<vmem_shared>> -> memref<100352xf32, #tpu.memory_space<vmem_shared>>
      tpu.enqueue_indirect_dma source(%dma_start3A_124 : memref<100352xf32, #tpu.memory_space<vmem_shared>>) target(%arg26 : memref<2000xf32, #tpu.memory_space<vmem>>) offsets(%arg14 : memref<2000xi32, #tpu.memory_space<vmem>>) semaphore(%arg44 : memref<!tpu.dma_semaphore, #tpu.memory_space<semaphore_mem>>)
      %dma_start3A_125 = arith.constant 0 : i32
      %dma_start3A_126 = tpu.memref_slice %arg46[%dma_start3A_125] : memref<100352xf32, #tpu.memory_space<vmem_shared>> -> memref<100352xf32, #tpu.memory_space<vmem_shared>>
      tpu.enqueue_indirect_dma source(%dma_start3A_126 : memref<100352xf32, #tpu.memory_space<vmem_shared>>) target(%arg27 : memref<2000xf32, #tpu.memory_space<vmem>>) offsets(%arg15 : memref<2000xi32, #tpu.memory_space<vmem>>) semaphore(%arg44 : memref<!tpu.dma_semaphore, #tpu.memory_space<semaphore_mem>>)
      %dma_start3A_127 = arith.constant 0 : i32
      %dma_start3A_128 = tpu.memref_slice %arg47[%dma_start3A_127] : memref<100352xf32, #tpu.memory_space<vmem_shared>> -> memref<100352xf32, #tpu.memory_space<vmem_shared>>
      tpu.enqueue_indirect_dma source(%dma_start3A_128 : memref<100352xf32, #tpu.memory_space<vmem_shared>>) target(%arg28 : memref<2000xf32, #tpu.memory_space<vmem>>) offsets(%arg15 : memref<2000xi32, #tpu.memory_space<vmem>>) semaphore(%arg44 : memref<!tpu.dma_semaphore, #tpu.memory_space<semaphore_mem>>)
      %dma_start3A_129 = arith.constant 0 : i32
      %dma_start3A_130 = tpu.memref_slice %arg48[%dma_start3A_129] : memref<100352xf32, #tpu.memory_space<vmem_shared>> -> memref<100352xf32, #tpu.memory_space<vmem_shared>>
      tpu.enqueue_indirect_dma source(%dma_start3A_130 : memref<100352xf32, #tpu.memory_space<vmem_shared>>) target(%arg29 : memref<2000xf32, #tpu.memory_space<vmem>>) offsets(%arg15 : memref<2000xi32, #tpu.memory_space<vmem>>) semaphore(%arg44 : memref<!tpu.dma_semaphore, #tpu.memory_space<semaphore_mem>>)
      %dma_wait3A_131 = tpu.memref_slice %arg7[%mul3A_89] : memref<6400000xf32, #tpu.memory_space<hbm>> -> memref<2000xf32, #tpu.memory_space<hbm>>
      %dma_wait3A_132 = tpu.memref_slice %arg7[%mul3A_89] : memref<6400000xf32, #tpu.memory_space<hbm>> -> memref<2000xf32, #tpu.memory_space<hbm>>
      tpu.wait_dma2 semaphore(%arg43 : memref<!tpu.dma_semaphore, #tpu.memory_space<semaphore_mem>>) src(%dma_wait3A_132 : memref<2000xf32, #tpu.memory_space<hbm>>) dst(%arg18 : memref<2000xf32, #tpu.memory_space<vmem>>)
      %dma_wait3A_133 = tpu.memref_slice %arg8[%mul3A_89] : memref<6400000xf32, #tpu.memory_space<hbm>> -> memref<2000xf32, #tpu.memory_space<hbm>>
      %dma_wait3A_134 = tpu.memref_slice %arg8[%mul3A_89] : memref<6400000xf32, #tpu.memory_space<hbm>> -> memref<2000xf32, #tpu.memory_space<hbm>>
      tpu.wait_dma2 semaphore(%arg43 : memref<!tpu.dma_semaphore, #tpu.memory_space<semaphore_mem>>) src(%dma_wait3A_134 : memref<2000xf32, #tpu.memory_space<hbm>>) dst(%arg19 : memref<2000xf32, #tpu.memory_space<vmem>>)
      %dma_wait3A_135 = tpu.memref_slice %arg9[%mul3A_89] : memref<6400000xf32, #tpu.memory_space<hbm>> -> memref<2000xf32, #tpu.memory_space<hbm>>
      %dma_wait3A_136 = tpu.memref_slice %arg9[%mul3A_89] : memref<6400000xf32, #tpu.memory_space<hbm>> -> memref<2000xf32, #tpu.memory_space<hbm>>
      tpu.wait_dma2 semaphore(%arg43 : memref<!tpu.dma_semaphore, #tpu.memory_space<semaphore_mem>>) src(%dma_wait3A_136 : memref<2000xf32, #tpu.memory_space<hbm>>) dst(%arg20 : memref<2000xf32, #tpu.memory_space<vmem>>)
      %dma_wait3A_137 = tpu.memref_slice %arg10[%mul3A_89] : memref<6400000xf32, #tpu.memory_space<hbm>> -> memref<2000xf32, #tpu.memory_space<hbm>>
      %dma_wait3A_138 = tpu.memref_slice %arg10[%mul3A_89] : memref<6400000xf32, #tpu.memory_space<hbm>> -> memref<2000xf32, #tpu.memory_space<hbm>>
      tpu.wait_dma2 semaphore(%arg43 : memref<!tpu.dma_semaphore, #tpu.memory_space<semaphore_mem>>) src(%dma_wait3A_138 : memref<2000xf32, #tpu.memory_space<hbm>>) dst(%arg21 : memref<2000xf32, #tpu.memory_space<vmem>>)
      %dma_wait3A_139 = tpu.memref_slice %arg11[%mul3A_89] : memref<6400000xf32, #tpu.memory_space<hbm>> -> memref<2000xf32, #tpu.memory_space<hbm>>
      %dma_wait3A_140 = tpu.memref_slice %arg11[%mul3A_89] : memref<6400000xf32, #tpu.memory_space<hbm>> -> memref<2000xf32, #tpu.memory_space<hbm>>
      tpu.wait_dma2 semaphore(%arg43 : memref<!tpu.dma_semaphore, #tpu.memory_space<semaphore_mem>>) src(%dma_wait3A_140 : memref<2000xf32, #tpu.memory_space<hbm>>) dst(%arg22 : memref<2000xf32, #tpu.memory_space<vmem>>)
      %dma_wait3A_141 = tpu.memref_slice %arg12[%mul3A_89] : memref<6400000xf32, #tpu.memory_space<hbm>> -> memref<2000xf32, #tpu.memory_space<hbm>>
      %dma_wait3A_142 = tpu.memref_slice %arg12[%mul3A_89] : memref<6400000xf32, #tpu.memory_space<hbm>> -> memref<2000xf32, #tpu.memory_space<hbm>>
      tpu.wait_dma2 semaphore(%arg43 : memref<!tpu.dma_semaphore, #tpu.memory_space<semaphore_mem>>) src(%dma_wait3A_142 : memref<2000xf32, #tpu.memory_space<hbm>>) dst(%arg23 : memref<2000xf32, #tpu.memory_space<vmem>>)
      %dma_wait3A_143 = arith.constant 0 : i32
      %dma_wait3A_144 = tpu.memref_slice %arg46[%dma_wait3A_143] : memref<100352xf32, #tpu.memory_space<vmem_shared>> -> memref<100352xf32, #tpu.memory_space<vmem_shared>>
      tpu.wait_indirect_dma semaphore(%arg44 : memref<!tpu.dma_semaphore, #tpu.memory_space<semaphore_mem>>) src(%dma_wait3A_144 : memref<100352xf32, #tpu.memory_space<vmem_shared>>) dst(%arg24 : memref<2000xf32, #tpu.memory_space<vmem>>)
      %dma_wait3A_145 = arith.constant 0 : i32
      %dma_wait3A_146 = tpu.memref_slice %arg47[%dma_wait3A_145] : memref<100352xf32, #tpu.memory_space<vmem_shared>> -> memref<100352xf32, #tpu.memory_space<vmem_shared>>
      tpu.wait_indirect_dma semaphore(%arg44 : memref<!tpu.dma_semaphore, #tpu.memory_space<semaphore_mem>>) src(%dma_wait3A_146 : memref<100352xf32, #tpu.memory_space<vmem_shared>>) dst(%arg25 : memref<2000xf32, #tpu.memory_space<vmem>>)
      %dma_wait3A_147 = arith.constant 0 : i32
      %dma_wait3A_148 = tpu.memref_slice %arg48[%dma_wait3A_147] : memref<100352xf32, #tpu.memory_space<vmem_shared>> -> memref<100352xf32, #tpu.memory_space<vmem_shared>>
      tpu.wait_indirect_dma semaphore(%arg44 : memref<!tpu.dma_semaphore, #tpu.memory_space<semaphore_mem>>) src(%dma_wait3A_148 : memref<100352xf32, #tpu.memory_space<vmem_shared>>) dst(%arg26 : memref<2000xf32, #tpu.memory_space<vmem>>)
      %dma_wait3A_149 = arith.constant 0 : i32
      %dma_wait3A_150 = tpu.memref_slice %arg46[%dma_wait3A_149] : memref<100352xf32, #tpu.memory_space<vmem_shared>> -> memref<100352xf32, #tpu.memory_space<vmem_shared>>
      tpu.wait_indirect_dma semaphore(%arg44 : memref<!tpu.dma_semaphore, #tpu.memory_space<semaphore_mem>>) src(%dma_wait3A_150 : memref<100352xf32, #tpu.memory_space<vmem_shared>>) dst(%arg27 : memref<2000xf32, #tpu.memory_space<vmem>>)
      %dma_wait3A_151 = arith.constant 0 : i32
      %dma_wait3A_152 = tpu.memref_slice %arg47[%dma_wait3A_151] : memref<100352xf32, #tpu.memory_space<vmem_shared>> -> memref<100352xf32, #tpu.memory_space<vmem_shared>>
      tpu.wait_indirect_dma semaphore(%arg44 : memref<!tpu.dma_semaphore, #tpu.memory_space<semaphore_mem>>) src(%dma_wait3A_152 : memref<100352xf32, #tpu.memory_space<vmem_shared>>) dst(%arg28 : memref<2000xf32, #tpu.memory_space<vmem>>)
      %dma_wait3A_153 = arith.constant 0 : i32
      %dma_wait3A_154 = tpu.memref_slice %arg48[%dma_wait3A_153] : memref<100352xf32, #tpu.memory_space<vmem_shared>> -> memref<100352xf32, #tpu.memory_space<vmem_shared>>
      tpu.wait_indirect_dma semaphore(%arg44 : memref<!tpu.dma_semaphore, #tpu.memory_space<semaphore_mem>>) src(%dma_wait3A_154 : memref<100352xf32, #tpu.memory_space<vmem_shared>>) dst(%arg29 : memref<2000xf32, #tpu.memory_space<vmem>>)
      %scan3A_155 = arith.constant 0 : i32
      %scan3A_156 = arith.constant 0 : i32
      %scan3A_157 = arith.constant 125 : i32
      %scan3A_158 = arith.addi %scan3A_156, %scan3A_157 : i32
      %scan3A_159 = arith.constant 1 : i32
      %scan3A_160 = scf.for %scan3A_274 = %scan3A_156 to %scan3A_158 step %scan3A_159 iter_args(%scan3A_275 = %scan3A_155) -> (i32)  : i32 {
        %mul3A_276 = arith.constant 16 : i32
        %mul3A_277 = arith.muli %scan3A_274, %mul3A_276 : i32
        %get3A = arith.index_cast %mul3A_277 : i32 to index
        %get3A_278 = tpu.vector_load %arg27[%get3A] {strides = array<i32>} : memref<2000xf32, #tpu.memory_space<vmem>>, vector<16xf32>,
        %get3A_279 = vector.shape_cast %get3A_278 : vector<16xf32> to vector<16xf32>
        %get3A_280 = arith.index_cast %mul3A_277 : i32 to index
        %get3A_281 = tpu.vector_load %arg24[%get3A_280] {strides = array<i32>} : memref<2000xf32, #tpu.memory_space<vmem>>, vector<16xf32>,
        %get3A_282 = vector.shape_cast %get3A_281 : vector<16xf32> to vector<16xf32>
        %sub3A = arith.subf %get3A_279, %get3A_282 : vector<16xf32>
        %get3A_283 = arith.index_cast %mul3A_277 : i32 to index
        %get3A_284 = tpu.vector_load %arg28[%get3A_283] {strides = array<i32>} : memref<2000xf32, #tpu.memory_space<vmem>>, vector<16xf32>,
        %get3A_285 = vector.shape_cast %get3A_284 : vector<16xf32> to vector<16xf32>
        %get3A_286 = arith.index_cast %mul3A_277 : i32 to index
        %get3A_287 = tpu.vector_load %arg25[%get3A_286] {strides = array<i32>} : memref<2000xf32, #tpu.memory_space<vmem>>, vector<16xf32>,
        %get3A_288 = vector.shape_cast %get3A_287 : vector<16xf32> to vector<16xf32>
        %sub3A_289 = arith.subf %get3A_285, %get3A_288 : vector<16xf32>
        %get3A_290 = arith.index_cast %mul3A_277 : i32 to index
        %get3A_291 = tpu.vector_load %arg29[%get3A_290] {strides = array<i32>} : memref<2000xf32, #tpu.memory_space<vmem>>, vector<16xf32>,
        %get3A_292 = vector.shape_cast %get3A_291 : vector<16xf32> to vector<16xf32>
        %get3A_293 = arith.index_cast %mul3A_277 : i32 to index
        %get3A_294 = tpu.vector_load %arg26[%get3A_293] {strides = array<i32>} : memref<2000xf32, #tpu.memory_space<vmem>>, vector<16xf32>,
        %get3A_295 = vector.shape_cast %get3A_294 : vector<16xf32> to vector<16xf32>
        %sub3A_296 = arith.subf %get3A_292, %get3A_295 : vector<16xf32>
        %get3A_297 = arith.index_cast %mul3A_277 : i32 to index
        %get3A_298 = tpu.vector_load %arg18[%get3A_297] {strides = array<i32>} : memref<2000xf32, #tpu.memory_space<vmem>>, vector<16xf32>,
        %get3A_299 = vector.shape_cast %get3A_298 : vector<16xf32> to vector<16xf32>
        %get3A_300 = arith.index_cast %mul3A_277 : i32 to index
        %get3A_301 = tpu.vector_load %arg19[%get3A_300] {strides = array<i32>} : memref<2000xf32, #tpu.memory_space<vmem>>, vector<16xf32>,
        %get3A_302 = vector.shape_cast %get3A_301 : vector<16xf32> to vector<16xf32>
        %get3A_303 = arith.index_cast %mul3A_277 : i32 to index
        %get3A_304 = tpu.vector_load %arg20[%get3A_303] {strides = array<i32>} : memref<2000xf32, #tpu.memory_space<vmem>>, vector<16xf32>,
        %get3A_305 = vector.shape_cast %get3A_304 : vector<16xf32> to vector<16xf32>
        %mul3A_306 = arith.mulf %sub3A, %get3A_299 : vector<16xf32>
        %mul3A_307 = arith.mulf %sub3A_289, %get3A_302 : vector<16xf32>
        %add3A_308 = arith.addf %mul3A_306, %mul3A_307 : vector<16xf32>
        %mul3A_309 = arith.mulf %sub3A_296, %get3A_305 : vector<16xf32>
        %add3A_310 = arith.addf %add3A_308, %mul3A_309 : vector<16xf32>
        %get3A_311 = arith.index_cast %mul3A_277 : i32 to index
        %get3A_312 = tpu.vector_load %arg21[%get3A_311] {strides = array<i32>} : memref<2000xf32, #tpu.memory_space<vmem>>, vector<16xf32>,
        %get3A_313 = vector.shape_cast %get3A_312 : vector<16xf32> to vector<16xf32>
        %get3A_314 = arith.index_cast %mul3A_277 : i32 to index
        %get3A_315 = tpu.vector_load %arg22[%get3A_314] {strides = array<i32>} : memref<2000xf32, #tpu.memory_space<vmem>>, vector<16xf32>,
        %get3A_316 = vector.shape_cast %get3A_315 : vector<16xf32> to vector<16xf32>
        %mul3A_317 = arith.mulf %get3A_313, %get3A_316 : vector<16xf32>
        %mul3A_318 = arith.mulf %mul3A_317, %add3A_310 : vector<16xf32>
        %get3A_319 = arith.index_cast %mul3A_277 : i32 to index
        %get3A_320 = tpu.vector_load %arg23[%get3A_319] {strides = array<i32>} : memref<2000xf32, #tpu.memory_space<vmem>>, vector<16xf32>,
        %get3A_321 = vector.shape_cast %get3A_320 : vector<16xf32> to vector<16xf32>
        %div3A = arith.divf %mul3A_318, %get3A_321 : vector<16xf32>
        %mul3A_322 = arith.mulf %div3A, %get3A_299 : vector<16xf32>
        %mul3A_323 = arith.mulf %div3A, %get3A_302 : vector<16xf32>
        %mul3A_324 = arith.mulf %div3A, %get3A_305 : vector<16xf32>
        %swap3A = arith.index_cast %mul3A_277 : i32 to index
        %swap3A_325 = tpu.vector_load %arg30[%swap3A] {strides = array<i32>} : memref<2000xf32, #tpu.memory_space<vmem>>, vector<16xf32>,
        %swap3A_326 = vector.shape_cast %swap3A_325 : vector<16xf32> to vector<16xf32>
        %swap3A_327 = vector.shape_cast %mul3A_322 : vector<16xf32> to vector<16xf32>
        tpu.vector_store %arg30[%swap3A], %swap3A_327 {strides = array<i32>} : memref<2000xf32, #tpu.memory_space<vmem>>, vector<16xf32>,
        %swap3A_328 = arith.index_cast %mul3A_277 : i32 to index
        %swap3A_329 = tpu.vector_load %arg31[%swap3A_328] {strides = array<i32>} : memref<2000xf32, #tpu.memory_space<vmem>>, vector<16xf32>,
        %swap3A_330 = vector.shape_cast %swap3A_329 : vector<16xf32> to vector<16xf32>
        %swap3A_331 = vector.shape_cast %mul3A_323 : vector<16xf32> to vector<16xf32>
        tpu.vector_store %arg31[%swap3A_328], %swap3A_331 {strides = array<i32>} : memref<2000xf32, #tpu.memory_space<vmem>>, vector<16xf32>,
        %swap3A_332 = arith.index_cast %mul3A_277 : i32 to index
        %swap3A_333 = tpu.vector_load %arg32[%swap3A_332] {strides = array<i32>} : memref<2000xf32, #tpu.memory_space<vmem>>, vector<16xf32>,
        %swap3A_334 = vector.shape_cast %swap3A_333 : vector<16xf32> to vector<16xf32>
        %swap3A_335 = vector.shape_cast %mul3A_324 : vector<16xf32> to vector<16xf32>
        tpu.vector_store %arg32[%swap3A_332], %swap3A_335 {strides = array<i32>} : memref<2000xf32, #tpu.memory_space<vmem>>, vector<16xf32>,
        %neg3A = arith.constant 0.000000e+00 : f32
        %neg3A_336 = vector.broadcast %neg3A : f32 to vector<16xf32>
        %neg3A_337 = arith.subf %neg3A_336, %mul3A_322 : vector<16xf32>
        %swap3A_338 = arith.index_cast %mul3A_277 : i32 to index
        %swap3A_339 = tpu.vector_load %arg33[%swap3A_338] {strides = array<i32>} : memref<2000xf32, #tpu.memory_space<vmem>>, vector<16xf32>,
        %swap3A_340 = vector.shape_cast %swap3A_339 : vector<16xf32> to vector<16xf32>
        %swap3A_341 = vector.shape_cast %neg3A_337 : vector<16xf32> to vector<16xf32>
        tpu.vector_store %arg33[%swap3A_338], %swap3A_341 {strides = array<i32>} : memref<2000xf32, #tpu.memory_space<vmem>>, vector<16xf32>,
        %neg3A_342 = arith.constant 0.000000e+00 : f32
        %neg3A_343 = vector.broadcast %neg3A_342 : f32 to vector<16xf32>
        %neg3A_344 = arith.subf %neg3A_343, %mul3A_323 : vector<16xf32>
        %swap3A_345 = arith.index_cast %mul3A_277 : i32 to index
        %swap3A_346 = tpu.vector_load %arg34[%swap3A_345] {strides = array<i32>} : memref<2000xf32, #tpu.memory_space<vmem>>, vector<16xf32>,
        %swap3A_347 = vector.shape_cast %swap3A_346 : vector<16xf32> to vector<16xf32>
        %swap3A_348 = vector.shape_cast %neg3A_344 : vector<16xf32> to vector<16xf32>
        tpu.vector_store %arg34[%swap3A_345], %swap3A_348 {strides = array<i32>} : memref<2000xf32, #tpu.memory_space<vmem>>, vector<16xf32>,
        %neg3A_349 = arith.constant 0.000000e+00 : f32
        %neg3A_350 = vector.broadcast %neg3A_349 : f32 to vector<16xf32>
        %neg3A_351 = arith.subf %neg3A_350, %mul3A_324 : vector<16xf32>
        %swap3A_352 = arith.index_cast %mul3A_277 : i32 to index
        %swap3A_353 = tpu.vector_load %arg35[%swap3A_352] {strides = array<i32>} : memref<2000xf32, #tpu.memory_space<vmem>>, vector<16xf32>,
        %swap3A_354 = vector.shape_cast %swap3A_353 : vector<16xf32> to vector<16xf32>
        %swap3A_355 = vector.shape_cast %neg3A_351 : vector<16xf32> to vector<16xf32>
        tpu.vector_store %arg35[%swap3A_352], %swap3A_355 {strides = array<i32>} : memref<2000xf32, #tpu.memory_space<vmem>>, vector<16xf32>,
        %scan3A_356 = arith.constant 0 : i32
        scf.yield %scan3A_356 : i32
      }
      %scan3A_161 = arith.constant 125 : i32
      %dma_wait3A_162 = arith.constant 0 : i32
      %dma_wait3A_163 = tpu.memref_slice %arg49[%dma_wait3A_162] : memref<100352xf32, #tpu.memory_space<vmem_shared>> -> memref<100352xf32, #tpu.memory_space<vmem_shared>>
      tpu.wait_indirect_dma semaphore(%arg45 : memref<!tpu.dma_semaphore, #tpu.memory_space<semaphore_mem>>) src(%arg36 : memref<2000xf32, #tpu.memory_space<vmem>>) dst(%dma_wait3A_163 : memref<100352xf32, #tpu.memory_space<vmem_shared>>)
      %dma_wait3A_164 = arith.constant 0 : i32
      %dma_wait3A_165 = tpu.memref_slice %arg50[%dma_wait3A_164] : memref<100352xf32, #tpu.memory_space<vmem_shared>> -> memref<100352xf32, #tpu.memory_space<vmem_shared>>
      tpu.wait_indirect_dma semaphore(%arg45 : memref<!tpu.dma_semaphore, #tpu.memory_space<semaphore_mem>>) src(%arg37 : memref<2000xf32, #tpu.memory_space<vmem>>) dst(%dma_wait3A_165 : memref<100352xf32, #tpu.memory_space<vmem_shared>>)
      %dma_wait3A_166 = arith.constant 0 : i32
      %dma_wait3A_167 = tpu.memref_slice %arg51[%dma_wait3A_166] : memref<100352xf32, #tpu.memory_space<vmem_shared>> -> memref<100352xf32, #tpu.memory_space<vmem_shared>>
      tpu.wait_indirect_dma semaphore(%arg45 : memref<!tpu.dma_semaphore, #tpu.memory_space<semaphore_mem>>) src(%arg38 : memref<2000xf32, #tpu.memory_space<vmem>>) dst(%dma_wait3A_167 : memref<100352xf32, #tpu.memory_space<vmem_shared>>)
      %dma_wait3A_168 = arith.constant 0 : i32
      %dma_wait3A_169 = tpu.memref_slice %arg49[%dma_wait3A_168] : memref<100352xf32, #tpu.memory_space<vmem_shared>> -> memref<100352xf32, #tpu.memory_space<vmem_shared>>
      tpu.wait_indirect_dma semaphore(%arg45 : memref<!tpu.dma_semaphore, #tpu.memory_space<semaphore_mem>>) src(%arg39 : memref<2000xf32, #tpu.memory_space<vmem>>) dst(%dma_wait3A_169 : memref<100352xf32, #tpu.memory_space<vmem_shared>>)
      %dma_wait3A_170 = arith.constant 0 : i32
      %dma_wait3A_171 = tpu.memref_slice %arg50[%dma_wait3A_170] : memref<100352xf32, #tpu.memory_space<vmem_shared>> -> memref<100352xf32, #tpu.memory_space<vmem_shared>>
      tpu.wait_indirect_dma semaphore(%arg45 : memref<!tpu.dma_semaphore, #tpu.memory_space<semaphore_mem>>) src(%arg40 : memref<2000xf32, #tpu.memory_space<vmem>>) dst(%dma_wait3A_171 : memref<100352xf32, #tpu.memory_space<vmem_shared>>)
      %dma_wait3A_172 = arith.constant 0 : i32
      %dma_wait3A_173 = tpu.memref_slice %arg51[%dma_wait3A_172] : memref<100352xf32, #tpu.memory_space<vmem_shared>> -> memref<100352xf32, #tpu.memory_space<vmem_shared>>
      tpu.wait_indirect_dma semaphore(%arg45 : memref<!tpu.dma_semaphore, #tpu.memory_space<semaphore_mem>>) src(%arg41 : memref<2000xf32, #tpu.memory_space<vmem>>) dst(%dma_wait3A_173 : memref<100352xf32, #tpu.memory_space<vmem_shared>>)
      %dma_start3A_174 = arith.constant 0 : i32
      %dma_start3A_175 = tpu.memref_slice %arg49[%dma_start3A_174] : memref<100352xf32, #tpu.memory_space<vmem_shared>> -> memref<100352xf32, #tpu.memory_space<vmem_shared>>
      tpu.enqueue_indirect_dma source(%arg30 : memref<2000xf32, #tpu.memory_space<vmem>>) target(%dma_start3A_175 : memref<100352xf32, #tpu.memory_space<vmem_shared>>) offsets(%arg14 : memref<2000xi32, #tpu.memory_space<vmem>>) semaphore(%arg45 : memref<!tpu.dma_semaphore, #tpu.memory_space<semaphore_mem>>) {add = true}
      %dma_start3A_176 = arith.constant 0 : i32
      %dma_start3A_177 = tpu.memref_slice %arg50[%dma_start3A_176] : memref<100352xf32, #tpu.memory_space<vmem_shared>> -> memref<100352xf32, #tpu.memory_space<vmem_shared>>
      tpu.enqueue_indirect_dma source(%arg31 : memref<2000xf32, #tpu.memory_space<vmem>>) target(%dma_start3A_177 : memref<100352xf32, #tpu.memory_space<vmem_shared>>) offsets(%arg14 : memref<2000xi32, #tpu.memory_space<vmem>>) semaphore(%arg45 : memref<!tpu.dma_semaphore, #tpu.memory_space<semaphore_mem>>) {add = true}
      %dma_start3A_178 = arith.constant 0 : i32
      %dma_start3A_179 = tpu.memref_slice %arg51[%dma_start3A_178] : memref<100352xf32, #tpu.memory_space<vmem_shared>> -> memref<100352xf32, #tpu.memory_space<vmem_shared>>
      tpu.enqueue_indirect_dma source(%arg32 : memref<2000xf32, #tpu.memory_space<vmem>>) target(%dma_start3A_179 : memref<100352xf32, #tpu.memory_space<vmem_shared>>) offsets(%arg14 : memref<2000xi32, #tpu.memory_space<vmem>>) semaphore(%arg45 : memref<!tpu.dma_semaphore, #tpu.memory_space<semaphore_mem>>) {add = true}
      %dma_start3A_180 = arith.constant 0 : i32
      %dma_start3A_181 = tpu.memref_slice %arg49[%dma_start3A_180] : memref<100352xf32, #tpu.memory_space<vmem_shared>> -> memref<100352xf32, #tpu.memory_space<vmem_shared>>
      tpu.enqueue_indirect_dma source(%arg33 : memref<2000xf32, #tpu.memory_space<vmem>>) target(%dma_start3A_181 : memref<100352xf32, #tpu.memory_space<vmem_shared>>) offsets(%arg15 : memref<2000xi32, #tpu.memory_space<vmem>>) semaphore(%arg45 : memref<!tpu.dma_semaphore, #tpu.memory_space<semaphore_mem>>) {add = true}
      %dma_start3A_182 = arith.constant 0 : i32
      %dma_start3A_183 = tpu.memref_slice %arg50[%dma_start3A_182] : memref<100352xf32, #tpu.memory_space<vmem_shared>> -> memref<100352xf32, #tpu.memory_space<vmem_shared>>
      tpu.enqueue_indirect_dma source(%arg34 : memref<2000xf32, #tpu.memory_space<vmem>>) target(%dma_start3A_183 : memref<100352xf32, #tpu.memory_space<vmem_shared>>) offsets(%arg15 : memref<2000xi32, #tpu.memory_space<vmem>>) semaphore(%arg45 : memref<!tpu.dma_semaphore, #tpu.memory_space<semaphore_mem>>) {add = true}
      %dma_start3A_184 = arith.constant 0 : i32
      %dma_start3A_185 = tpu.memref_slice %arg51[%dma_start3A_184] : memref<100352xf32, #tpu.memory_space<vmem_shared>> -> memref<100352xf32, #tpu.memory_space<vmem_shared>>
      tpu.enqueue_indirect_dma source(%arg35 : memref<2000xf32, #tpu.memory_space<vmem>>) target(%dma_start3A_185 : memref<100352xf32, #tpu.memory_space<vmem_shared>>) offsets(%arg15 : memref<2000xi32, #tpu.memory_space<vmem>>) semaphore(%arg45 : memref<!tpu.dma_semaphore, #tpu.memory_space<semaphore_mem>>) {add = true}
      %dma_start3A_186 = tpu.memref_slice %arg5[%mul3A_98] : memref<6400000xi32, #tpu.memory_space<hbm>> -> memref<2000xi32, #tpu.memory_space<hbm>>
      %dma_start3A_187 = tpu.memref_slice %arg5[%mul3A_98] : memref<6400000xi32, #tpu.memory_space<hbm>> -> memref<2000xi32, #tpu.memory_space<hbm>>
      tpu.enqueue_dma source(%dma_start3A_187 : memref<2000xi32, #tpu.memory_space<hbm>>) target(%arg16 : memref<2000xi32, #tpu.memory_space<vmem>>) target_semaphore(%arg43 : memref<!tpu.dma_semaphore, #tpu.memory_space<semaphore_mem>>)
      %dma_start3A_188 = tpu.memref_slice %arg6[%mul3A_98] : memref<6400000xi32, #tpu.memory_space<hbm>> -> memref<2000xi32, #tpu.memory_space<hbm>>
      %dma_start3A_189 = tpu.memref_slice %arg6[%mul3A_98] : memref<6400000xi32, #tpu.memory_space<hbm>> -> memref<2000xi32, #tpu.memory_space<hbm>>
      tpu.enqueue_dma source(%dma_start3A_189 : memref<2000xi32, #tpu.memory_space<hbm>>) target(%arg17 : memref<2000xi32, #tpu.memory_space<vmem>>) target_semaphore(%arg43 : memref<!tpu.dma_semaphore, #tpu.memory_space<semaphore_mem>>)
      %dma_start3A_190 = tpu.memref_slice %arg7[%mul3A_98] : memref<6400000xf32, #tpu.memory_space<hbm>> -> memref<2000xf32, #tpu.memory_space<hbm>>
      %dma_start3A_191 = tpu.memref_slice %arg7[%mul3A_98] : memref<6400000xf32, #tpu.memory_space<hbm>> -> memref<2000xf32, #tpu.memory_space<hbm>>
      tpu.enqueue_dma source(%dma_start3A_191 : memref<2000xf32, #tpu.memory_space<hbm>>) target(%arg18 : memref<2000xf32, #tpu.memory_space<vmem>>) target_semaphore(%arg43 : memref<!tpu.dma_semaphore, #tpu.memory_space<semaphore_mem>>)
      %dma_start3A_192 = tpu.memref_slice %arg8[%mul3A_98] : memref<6400000xf32, #tpu.memory_space<hbm>> -> memref<2000xf32, #tpu.memory_space<hbm>>
      %dma_start3A_193 = tpu.memref_slice %arg8[%mul3A_98] : memref<6400000xf32, #tpu.memory_space<hbm>> -> memref<2000xf32, #tpu.memory_space<hbm>>
      tpu.enqueue_dma source(%dma_start3A_193 : memref<2000xf32, #tpu.memory_space<hbm>>) target(%arg19 : memref<2000xf32, #tpu.memory_space<vmem>>) target_semaphore(%arg43 : memref<!tpu.dma_semaphore, #tpu.memory_space<semaphore_mem>>)
      %dma_start3A_194 = tpu.memref_slice %arg9[%mul3A_98] : memref<6400000xf32, #tpu.memory_space<hbm>> -> memref<2000xf32, #tpu.memory_space<hbm>>
      %dma_start3A_195 = tpu.memref_slice %arg9[%mul3A_98] : memref<6400000xf32, #tpu.memory_space<hbm>> -> memref<2000xf32, #tpu.memory_space<hbm>>
      tpu.enqueue_dma source(%dma_start3A_195 : memref<2000xf32, #tpu.memory_space<hbm>>) target(%arg20 : memref<2000xf32, #tpu.memory_space<vmem>>) target_semaphore(%arg43 : memref<!tpu.dma_semaphore, #tpu.memory_space<semaphore_mem>>)
      %dma_start3A_196 = tpu.memref_slice %arg10[%mul3A_98] : memref<6400000xf32, #tpu.memory_space<hbm>> -> memref<2000xf32, #tpu.memory_space<hbm>>
      %dma_start3A_197 = tpu.memref_slice %arg10[%mul3A_98] : memref<6400000xf32, #tpu.memory_space<hbm>> -> memref<2000xf32, #tpu.memory_space<hbm>>
      tpu.enqueue_dma source(%dma_start3A_197 : memref<2000xf32, #tpu.memory_space<hbm>>) target(%arg21 : memref<2000xf32, #tpu.memory_space<vmem>>) target_semaphore(%arg43 : memref<!tpu.dma_semaphore, #tpu.memory_space<semaphore_mem>>)
      %dma_start3A_198 = tpu.memref_slice %arg11[%mul3A_98] : memref<6400000xf32, #tpu.memory_space<hbm>> -> memref<2000xf32, #tpu.memory_space<hbm>>
      %dma_start3A_199 = tpu.memref_slice %arg11[%mul3A_98] : memref<6400000xf32, #tpu.memory_space<hbm>> -> memref<2000xf32, #tpu.memory_space<hbm>>
      tpu.enqueue_dma source(%dma_start3A_199 : memref<2000xf32, #tpu.memory_space<hbm>>) target(%arg22 : memref<2000xf32, #tpu.memory_space<vmem>>) target_semaphore(%arg43 : memref<!tpu.dma_semaphore, #tpu.memory_space<semaphore_mem>>)
      %dma_start3A_200 = tpu.memref_slice %arg12[%mul3A_98] : memref<6400000xf32, #tpu.memory_space<hbm>> -> memref<2000xf32, #tpu.memory_space<hbm>>
      %dma_start3A_201 = tpu.memref_slice %arg12[%mul3A_98] : memref<6400000xf32, #tpu.memory_space<hbm>> -> memref<2000xf32, #tpu.memory_space<hbm>>
      tpu.enqueue_dma source(%dma_start3A_201 : memref<2000xf32, #tpu.memory_space<hbm>>) target(%arg23 : memref<2000xf32, #tpu.memory_space<vmem>>) target_semaphore(%arg43 : memref<!tpu.dma_semaphore, #tpu.memory_space<semaphore_mem>>)
      %dma_wait3A_202 = tpu.memref_slice %arg5[%mul3A_98] : memref<6400000xi32, #tpu.memory_space<hbm>> -> memref<2000xi32, #tpu.memory_space<hbm>>
      %dma_wait3A_203 = tpu.memref_slice %arg5[%mul3A_98] : memref<6400000xi32, #tpu.memory_space<hbm>> -> memref<2000xi32, #tpu.memory_space<hbm>>
      tpu.wait_dma2 semaphore(%arg43 : memref<!tpu.dma_semaphore, #tpu.memory_space<semaphore_mem>>) src(%dma_wait3A_203 : memref<2000xi32, #tpu.memory_space<hbm>>) dst(%arg16 : memref<2000xi32, #tpu.memory_space<vmem>>)
      %dma_wait3A_204 = tpu.memref_slice %arg6[%mul3A_98] : memref<6400000xi32, #tpu.memory_space<hbm>> -> memref<2000xi32, #tpu.memory_space<hbm>>
      %dma_wait3A_205 = tpu.memref_slice %arg6[%mul3A_98] : memref<6400000xi32, #tpu.memory_space<hbm>> -> memref<2000xi32, #tpu.memory_space<hbm>>
      tpu.wait_dma2 semaphore(%arg43 : memref<!tpu.dma_semaphore, #tpu.memory_space<semaphore_mem>>) src(%dma_wait3A_205 : memref<2000xi32, #tpu.memory_space<hbm>>) dst(%arg17 : memref<2000xi32, #tpu.memory_space<vmem>>)
      %dma_start3A_206 = arith.constant 0 : i32
      %dma_start3A_207 = tpu.memref_slice %arg46[%dma_start3A_206] : memref<100352xf32, #tpu.memory_space<vmem_shared>> -> memref<100352xf32, #tpu.memory_space<vmem_shared>>
      tpu.enqueue_indirect_dma source(%dma_start3A_207 : memref<100352xf32, #tpu.memory_space<vmem_shared>>) target(%arg24 : memref<2000xf32, #tpu.memory_space<vmem>>) offsets(%arg16 : memref<2000xi32, #tpu.memory_space<vmem>>) semaphore(%arg44 : memref<!tpu.dma_semaphore, #tpu.memory_space<semaphore_mem>>)
      %dma_start3A_208 = arith.constant 0 : i32
      %dma_start3A_209 = tpu.memref_slice %arg47[%dma_start3A_208] : memref<100352xf32, #tpu.memory_space<vmem_shared>> -> memref<100352xf32, #tpu.memory_space<vmem_shared>>
      tpu.enqueue_indirect_dma source(%dma_start3A_209 : memref<100352xf32, #tpu.memory_space<vmem_shared>>) target(%arg25 : memref<2000xf32, #tpu.memory_space<vmem>>) offsets(%arg16 : memref<2000xi32, #tpu.memory_space<vmem>>) semaphore(%arg44 : memref<!tpu.dma_semaphore, #tpu.memory_space<semaphore_mem>>)
      %dma_start3A_210 = arith.constant 0 : i32
      %dma_start3A_211 = tpu.memref_slice %arg48[%dma_start3A_210] : memref<100352xf32, #tpu.memory_space<vmem_shared>> -> memref<100352xf32, #tpu.memory_space<vmem_shared>>
      tpu.enqueue_indirect_dma source(%dma_start3A_211 : memref<100352xf32, #tpu.memory_space<vmem_shared>>) target(%arg26 : memref<2000xf32, #tpu.memory_space<vmem>>) offsets(%arg16 : memref<2000xi32, #tpu.memory_space<vmem>>) semaphore(%arg44 : memref<!tpu.dma_semaphore, #tpu.memory_space<semaphore_mem>>)
      %dma_start3A_212 = arith.constant 0 : i32
      %dma_start3A_213 = tpu.memref_slice %arg46[%dma_start3A_212] : memref<100352xf32, #tpu.memory_space<vmem_shared>> -> memref<100352xf32, #tpu.memory_space<vmem_shared>>
      tpu.enqueue_indirect_dma source(%dma_start3A_213 : memref<100352xf32, #tpu.memory_space<vmem_shared>>) target(%arg27 : memref<2000xf32, #tpu.memory_space<vmem>>) offsets(%arg17 : memref<2000xi32, #tpu.memory_space<vmem>>) semaphore(%arg44 : memref<!tpu.dma_semaphore, #tpu.memory_space<semaphore_mem>>)
      %dma_start3A_214 = arith.constant 0 : i32
      %dma_start3A_215 = tpu.memref_slice %arg47[%dma_start3A_214] : memref<100352xf32, #tpu.memory_space<vmem_shared>> -> memref<100352xf32, #tpu.memory_space<vmem_shared>>
      tpu.enqueue_indirect_dma source(%dma_start3A_215 : memref<100352xf32, #tpu.memory_space<vmem_shared>>) target(%arg28 : memref<2000xf32, #tpu.memory_space<vmem>>) offsets(%arg17 : memref<2000xi32, #tpu.memory_space<vmem>>) semaphore(%arg44 : memref<!tpu.dma_semaphore, #tpu.memory_space<semaphore_mem>>)
      %dma_start3A_216 = arith.constant 0 : i32
      %dma_start3A_217 = tpu.memref_slice %arg48[%dma_start3A_216] : memref<100352xf32, #tpu.memory_space<vmem_shared>> -> memref<100352xf32, #tpu.memory_space<vmem_shared>>
      tpu.enqueue_indirect_dma source(%dma_start3A_217 : memref<100352xf32, #tpu.memory_space<vmem_shared>>) target(%arg29 : memref<2000xf32, #tpu.memory_space<vmem>>) offsets(%arg17 : memref<2000xi32, #tpu.memory_space<vmem>>) semaphore(%arg44 : memref<!tpu.dma_semaphore, #tpu.memory_space<semaphore_mem>>)
      %dma_wait3A_218 = tpu.memref_slice %arg7[%mul3A_98] : memref<6400000xf32, #tpu.memory_space<hbm>> -> memref<2000xf32, #tpu.memory_space<hbm>>
      %dma_wait3A_219 = tpu.memref_slice %arg7[%mul3A_98] : memref<6400000xf32, #tpu.memory_space<hbm>> -> memref<2000xf32, #tpu.memory_space<hbm>>
      tpu.wait_dma2 semaphore(%arg43 : memref<!tpu.dma_semaphore, #tpu.memory_space<semaphore_mem>>) src(%dma_wait3A_219 : memref<2000xf32, #tpu.memory_space<hbm>>) dst(%arg18 : memref<2000xf32, #tpu.memory_space<vmem>>)
      %dma_wait3A_220 = tpu.memref_slice %arg8[%mul3A_98] : memref<6400000xf32, #tpu.memory_space<hbm>> -> memref<2000xf32, #tpu.memory_space<hbm>>
      %dma_wait3A_221 = tpu.memref_slice %arg8[%mul3A_98] : memref<6400000xf32, #tpu.memory_space<hbm>> -> memref<2000xf32, #tpu.memory_space<hbm>>
      tpu.wait_dma2 semaphore(%arg43 : memref<!tpu.dma_semaphore, #tpu.memory_space<semaphore_mem>>) src(%dma_wait3A_221 : memref<2000xf32, #tpu.memory_space<hbm>>) dst(%arg19 : memref<2000xf32, #tpu.memory_space<vmem>>)
      %dma_wait3A_222 = tpu.memref_slice %arg9[%mul3A_98] : memref<6400000xf32, #tpu.memory_space<hbm>> -> memref<2000xf32, #tpu.memory_space<hbm>>
      %dma_wait3A_223 = tpu.memref_slice %arg9[%mul3A_98] : memref<6400000xf32, #tpu.memory_space<hbm>> -> memref<2000xf32, #tpu.memory_space<hbm>>
      tpu.wait_dma2 semaphore(%arg43 : memref<!tpu.dma_semaphore, #tpu.memory_space<semaphore_mem>>) src(%dma_wait3A_223 : memref<2000xf32, #tpu.memory_space<hbm>>) dst(%arg20 : memref<2000xf32, #tpu.memory_space<vmem>>)
      %dma_wait3A_224 = tpu.memref_slice %arg10[%mul3A_98] : memref<6400000xf32, #tpu.memory_space<hbm>> -> memref<2000xf32, #tpu.memory_space<hbm>>
      %dma_wait3A_225 = tpu.memref_slice %arg10[%mul3A_98] : memref<6400000xf32, #tpu.memory_space<hbm>> -> memref<2000xf32, #tpu.memory_space<hbm>>
      tpu.wait_dma2 semaphore(%arg43 : memref<!tpu.dma_semaphore, #tpu.memory_space<semaphore_mem>>) src(%dma_wait3A_225 : memref<2000xf32, #tpu.memory_space<hbm>>) dst(%arg21 : memref<2000xf32, #tpu.memory_space<vmem>>)
      %dma_wait3A_226 = tpu.memref_slice %arg11[%mul3A_98] : memref<6400000xf32, #tpu.memory_space<hbm>> -> memref<2000xf32, #tpu.memory_space<hbm>>
      %dma_wait3A_227 = tpu.memref_slice %arg11[%mul3A_98] : memref<6400000xf32, #tpu.memory_space<hbm>> -> memref<2000xf32, #tpu.memory_space<hbm>>
      tpu.wait_dma2 semaphore(%arg43 : memref<!tpu.dma_semaphore, #tpu.memory_space<semaphore_mem>>) src(%dma_wait3A_227 : memref<2000xf32, #tpu.memory_space<hbm>>) dst(%arg22 : memref<2000xf32, #tpu.memory_space<vmem>>)
      %dma_wait3A_228 = tpu.memref_slice %arg12[%mul3A_98] : memref<6400000xf32, #tpu.memory_space<hbm>> -> memref<2000xf32, #tpu.memory_space<hbm>>
      %dma_wait3A_229 = tpu.memref_slice %arg12[%mul3A_98] : memref<6400000xf32, #tpu.memory_space<hbm>> -> memref<2000xf32, #tpu.memory_space<hbm>>
      tpu.wait_dma2 semaphore(%arg43 : memref<!tpu.dma_semaphore, #tpu.memory_space<semaphore_mem>>) src(%dma_wait3A_229 : memref<2000xf32, #tpu.memory_space<hbm>>) dst(%arg23 : memref<2000xf32, #tpu.memory_space<vmem>>)
      %dma_wait3A_230 = arith.constant 0 : i32
      %dma_wait3A_231 = tpu.memref_slice %arg46[%dma_wait3A_230] : memref<100352xf32, #tpu.memory_space<vmem_shared>> -> memref<100352xf32, #tpu.memory_space<vmem_shared>>
      tpu.wait_indirect_dma semaphore(%arg44 : memref<!tpu.dma_semaphore, #tpu.memory_space<semaphore_mem>>) src(%dma_wait3A_231 : memref<100352xf32, #tpu.memory_space<vmem_shared>>) dst(%arg24 : memref<2000xf32, #tpu.memory_space<vmem>>)
      %dma_wait3A_232 = arith.constant 0 : i32
      %dma_wait3A_233 = tpu.memref_slice %arg47[%dma_wait3A_232] : memref<100352xf32, #tpu.memory_space<vmem_shared>> -> memref<100352xf32, #tpu.memory_space<vmem_shared>>
      tpu.wait_indirect_dma semaphore(%arg44 : memref<!tpu.dma_semaphore, #tpu.memory_space<semaphore_mem>>) src(%dma_wait3A_233 : memref<100352xf32, #tpu.memory_space<vmem_shared>>) dst(%arg25 : memref<2000xf32, #tpu.memory_space<vmem>>)
      %dma_wait3A_234 = arith.constant 0 : i32
      %dma_wait3A_235 = tpu.memref_slice %arg48[%dma_wait3A_234] : memref<100352xf32, #tpu.memory_space<vmem_shared>> -> memref<100352xf32, #tpu.memory_space<vmem_shared>>
      tpu.wait_indirect_dma semaphore(%arg44 : memref<!tpu.dma_semaphore, #tpu.memory_space<semaphore_mem>>) src(%dma_wait3A_235 : memref<100352xf32, #tpu.memory_space<vmem_shared>>) dst(%arg26 : memref<2000xf32, #tpu.memory_space<vmem>>)
      %dma_wait3A_236 = arith.constant 0 : i32
      %dma_wait3A_237 = tpu.memref_slice %arg46[%dma_wait3A_236] : memref<100352xf32, #tpu.memory_space<vmem_shared>> -> memref<100352xf32, #tpu.memory_space<vmem_shared>>
      tpu.wait_indirect_dma semaphore(%arg44 : memref<!tpu.dma_semaphore, #tpu.memory_space<semaphore_mem>>) src(%dma_wait3A_237 : memref<100352xf32, #tpu.memory_space<vmem_shared>>) dst(%arg27 : memref<2000xf32, #tpu.memory_space<vmem>>)
      %dma_wait3A_238 = arith.constant 0 : i32
      %dma_wait3A_239 = tpu.memref_slice %arg47[%dma_wait3A_238] : memref<100352xf32, #tpu.memory_space<vmem_shared>> -> memref<100352xf32, #tpu.memory_space<vmem_shared>>
      tpu.wait_indirect_dma semaphore(%arg44 : memref<!tpu.dma_semaphore, #tpu.memory_space<semaphore_mem>>) src(%dma_wait3A_239 : memref<100352xf32, #tpu.memory_space<vmem_shared>>) dst(%arg28 : memref<2000xf32, #tpu.memory_space<vmem>>)
      %dma_wait3A_240 = arith.constant 0 : i32
      %dma_wait3A_241 = tpu.memref_slice %arg48[%dma_wait3A_240] : memref<100352xf32, #tpu.memory_space<vmem_shared>> -> memref<100352xf32, #tpu.memory_space<vmem_shared>>
      tpu.wait_indirect_dma semaphore(%arg44 : memref<!tpu.dma_semaphore, #tpu.memory_space<semaphore_mem>>) src(%dma_wait3A_241 : memref<100352xf32, #tpu.memory_space<vmem_shared>>) dst(%arg29 : memref<2000xf32, #tpu.memory_space<vmem>>)
      %scan3A_242 = arith.constant 0 : i32
      %scan3A_243 = arith.constant 0 : i32
      %scan3A_244 = arith.constant 125 : i32
      %scan3A_245 = arith.addi %scan3A_243, %scan3A_244 : i32
      %scan3A_246 = arith.constant 1 : i32
      %scan3A_247 = scf.for %scan3A_274 = %scan3A_243 to %scan3A_245 step %scan3A_246 iter_args(%scan3A_275 = %scan3A_242) -> (i32)  : i32 {
        %mul3A_276 = arith.constant 16 : i32
        %mul3A_277 = arith.muli %scan3A_274, %mul3A_276 : i32
        %get3A = arith.index_cast %mul3A_277 : i32 to index
        %get3A_278 = tpu.vector_load %arg27[%get3A] {strides = array<i32>} : memref<2000xf32, #tpu.memory_space<vmem>>, vector<16xf32>,
        %get3A_279 = vector.shape_cast %get3A_278 : vector<16xf32> to vector<16xf32>
        %get3A_280 = arith.index_cast %mul3A_277 : i32 to index
        %get3A_281 = tpu.vector_load %arg24[%get3A_280] {strides = array<i32>} : memref<2000xf32, #tpu.memory_space<vmem>>, vector<16xf32>,
        %get3A_282 = vector.shape_cast %get3A_281 : vector<16xf32> to vector<16xf32>
        %sub3A = arith.subf %get3A_279, %get3A_282 : vector<16xf32>
        %get3A_283 = arith.index_cast %mul3A_277 : i32 to index
        %get3A_284 = tpu.vector_load %arg28[%get3A_283] {strides = array<i32>} : memref<2000xf32, #tpu.memory_space<vmem>>, vector<16xf32>,
        %get3A_285 = vector.shape_cast %get3A_284 : vector<16xf32> to vector<16xf32>
        %get3A_286 = arith.index_cast %mul3A_277 : i32 to index
        %get3A_287 = tpu.vector_load %arg25[%get3A_286] {strides = array<i32>} : memref<2000xf32, #tpu.memory_space<vmem>>, vector<16xf32>,
        %get3A_288 = vector.shape_cast %get3A_287 : vector<16xf32> to vector<16xf32>
        %sub3A_289 = arith.subf %get3A_285, %get3A_288 : vector<16xf32>
        %get3A_290 = arith.index_cast %mul3A_277 : i32 to index
        %get3A_291 = tpu.vector_load %arg29[%get3A_290] {strides = array<i32>} : memref<2000xf32, #tpu.memory_space<vmem>>, vector<16xf32>,
        %get3A_292 = vector.shape_cast %get3A_291 : vector<16xf32> to vector<16xf32>
        %get3A_293 = arith.index_cast %mul3A_277 : i32 to index
        %get3A_294 = tpu.vector_load %arg26[%get3A_293] {strides = array<i32>} : memref<2000xf32, #tpu.memory_space<vmem>>, vector<16xf32>,
        %get3A_295 = vector.shape_cast %get3A_294 : vector<16xf32> to vector<16xf32>
        %sub3A_296 = arith.subf %get3A_292, %get3A_295 : vector<16xf32>
        %get3A_297 = arith.index_cast %mul3A_277 : i32 to index
        %get3A_298 = tpu.vector_load %arg18[%get3A_297] {strides = array<i32>} : memref<2000xf32, #tpu.memory_space<vmem>>, vector<16xf32>,
        %get3A_299 = vector.shape_cast %get3A_298 : vector<16xf32> to vector<16xf32>
        %get3A_300 = arith.index_cast %mul3A_277 : i32 to index
        %get3A_301 = tpu.vector_load %arg19[%get3A_300] {strides = array<i32>} : memref<2000xf32, #tpu.memory_space<vmem>>, vector<16xf32>,
        %get3A_302 = vector.shape_cast %get3A_301 : vector<16xf32> to vector<16xf32>
        %get3A_303 = arith.index_cast %mul3A_277 : i32 to index
        %get3A_304 = tpu.vector_load %arg20[%get3A_303] {strides = array<i32>} : memref<2000xf32, #tpu.memory_space<vmem>>, vector<16xf32>,
        %get3A_305 = vector.shape_cast %get3A_304 : vector<16xf32> to vector<16xf32>
        %mul3A_306 = arith.mulf %sub3A, %get3A_299 : vector<16xf32>
        %mul3A_307 = arith.mulf %sub3A_289, %get3A_302 : vector<16xf32>
        %add3A_308 = arith.addf %mul3A_306, %mul3A_307 : vector<16xf32>
        %mul3A_309 = arith.mulf %sub3A_296, %get3A_305 : vector<16xf32>
        %add3A_310 = arith.addf %add3A_308, %mul3A_309 : vector<16xf32>
        %get3A_311 = arith.index_cast %mul3A_277 : i32 to index
        %get3A_312 = tpu.vector_load %arg21[%get3A_311] {strides = array<i32>} : memref<2000xf32, #tpu.memory_space<vmem>>, vector<16xf32>,
        %get3A_313 = vector.shape_cast %get3A_312 : vector<16xf32> to vector<16xf32>
        %get3A_314 = arith.index_cast %mul3A_277 : i32 to index
        %get3A_315 = tpu.vector_load %arg22[%get3A_314] {strides = array<i32>} : memref<2000xf32, #tpu.memory_space<vmem>>, vector<16xf32>,
        %get3A_316 = vector.shape_cast %get3A_315 : vector<16xf32> to vector<16xf32>
        %mul3A_317 = arith.mulf %get3A_313, %get3A_316 : vector<16xf32>
        %mul3A_318 = arith.mulf %mul3A_317, %add3A_310 : vector<16xf32>
        %get3A_319 = arith.index_cast %mul3A_277 : i32 to index
        %get3A_320 = tpu.vector_load %arg23[%get3A_319] {strides = array<i32>} : memref<2000xf32, #tpu.memory_space<vmem>>, vector<16xf32>,
        %get3A_321 = vector.shape_cast %get3A_320 : vector<16xf32> to vector<16xf32>
        %div3A = arith.divf %mul3A_318, %get3A_321 : vector<16xf32>
        %mul3A_322 = arith.mulf %div3A, %get3A_299 : vector<16xf32>
        %mul3A_323 = arith.mulf %div3A, %get3A_302 : vector<16xf32>
        %mul3A_324 = arith.mulf %div3A, %get3A_305 : vector<16xf32>
        %swap3A = arith.index_cast %mul3A_277 : i32 to index
        %swap3A_325 = tpu.vector_load %arg36[%swap3A] {strides = array<i32>} : memref<2000xf32, #tpu.memory_space<vmem>>, vector<16xf32>,
        %swap3A_326 = vector.shape_cast %swap3A_325 : vector<16xf32> to vector<16xf32>
        %swap3A_327 = vector.shape_cast %mul3A_322 : vector<16xf32> to vector<16xf32>
        tpu.vector_store %arg36[%swap3A], %swap3A_327 {strides = array<i32>} : memref<2000xf32, #tpu.memory_space<vmem>>, vector<16xf32>,
        %swap3A_328 = arith.index_cast %mul3A_277 : i32 to index
        %swap3A_329 = tpu.vector_load %arg37[%swap3A_328] {strides = array<i32>} : memref<2000xf32, #tpu.memory_space<vmem>>, vector<16xf32>,
        %swap3A_330 = vector.shape_cast %swap3A_329 : vector<16xf32> to vector<16xf32>
        %swap3A_331 = vector.shape_cast %mul3A_323 : vector<16xf32> to vector<16xf32>
        tpu.vector_store %arg37[%swap3A_328], %swap3A_331 {strides = array<i32>} : memref<2000xf32, #tpu.memory_space<vmem>>, vector<16xf32>,
        %swap3A_332 = arith.index_cast %mul3A_277 : i32 to index
        %swap3A_333 = tpu.vector_load %arg38[%swap3A_332] {strides = array<i32>} : memref<2000xf32, #tpu.memory_space<vmem>>, vector<16xf32>,
        %swap3A_334 = vector.shape_cast %swap3A_333 : vector<16xf32> to vector<16xf32>
        %swap3A_335 = vector.shape_cast %mul3A_324 : vector<16xf32> to vector<16xf32>
        tpu.vector_store %arg38[%swap3A_332], %swap3A_335 {strides = array<i32>} : memref<2000xf32, #tpu.memory_space<vmem>>, vector<16xf32>,
        %neg3A = arith.constant 0.000000e+00 : f32
        %neg3A_336 = vector.broadcast %neg3A : f32 to vector<16xf32>
        %neg3A_337 = arith.subf %neg3A_336, %mul3A_322 : vector<16xf32>
        %swap3A_338 = arith.index_cast %mul3A_277 : i32 to index
        %swap3A_339 = tpu.vector_load %arg39[%swap3A_338] {strides = array<i32>} : memref<2000xf32, #tpu.memory_space<vmem>>, vector<16xf32>,
        %swap3A_340 = vector.shape_cast %swap3A_339 : vector<16xf32> to vector<16xf32>
        %swap3A_341 = vector.shape_cast %neg3A_337 : vector<16xf32> to vector<16xf32>
        tpu.vector_store %arg39[%swap3A_338], %swap3A_341 {strides = array<i32>} : memref<2000xf32, #tpu.memory_space<vmem>>, vector<16xf32>,
        %neg3A_342 = arith.constant 0.000000e+00 : f32
        %neg3A_343 = vector.broadcast %neg3A_342 : f32 to vector<16xf32>
        %neg3A_344 = arith.subf %neg3A_343, %mul3A_323 : vector<16xf32>
        %swap3A_345 = arith.index_cast %mul3A_277 : i32 to index
        %swap3A_346 = tpu.vector_load %arg40[%swap3A_345] {strides = array<i32>} : memref<2000xf32, #tpu.memory_space<vmem>>, vector<16xf32>,
        %swap3A_347 = vector.shape_cast %swap3A_346 : vector<16xf32> to vector<16xf32>
        %swap3A_348 = vector.shape_cast %neg3A_344 : vector<16xf32> to vector<16xf32>
        tpu.vector_store %arg40[%swap3A_345], %swap3A_348 {strides = array<i32>} : memref<2000xf32, #tpu.memory_space<vmem>>, vector<16xf32>,
        %neg3A_349 = arith.constant 0.000000e+00 : f32
        %neg3A_350 = vector.broadcast %neg3A_349 : f32 to vector<16xf32>
        %neg3A_351 = arith.subf %neg3A_350, %mul3A_324 : vector<16xf32>
        %swap3A_352 = arith.index_cast %mul3A_277 : i32 to index
        %swap3A_353 = tpu.vector_load %arg41[%swap3A_352] {strides = array<i32>} : memref<2000xf32, #tpu.memory_space<vmem>>, vector<16xf32>,
        %swap3A_354 = vector.shape_cast %swap3A_353 : vector<16xf32> to vector<16xf32>
        %swap3A_355 = vector.shape_cast %neg3A_351 : vector<16xf32> to vector<16xf32>
        tpu.vector_store %arg41[%swap3A_352], %swap3A_355 {strides = array<i32>} : memref<2000xf32, #tpu.memory_space<vmem>>, vector<16xf32>,
        %scan3A_356 = arith.constant 0 : i32
        scf.yield %scan3A_356 : i32
      }
      %scan3A_248 = arith.constant 125 : i32
      %dma_wait3A_249 = arith.constant 0 : i32
      %dma_wait3A_250 = tpu.memref_slice %arg49[%dma_wait3A_249] : memref<100352xf32, #tpu.memory_space<vmem_shared>> -> memref<100352xf32, #tpu.memory_space<vmem_shared>>
      tpu.wait_indirect_dma semaphore(%arg45 : memref<!tpu.dma_semaphore, #tpu.memory_space<semaphore_mem>>) src(%arg30 : memref<2000xf32, #tpu.memory_space<vmem>>) dst(%dma_wait3A_250 : memref<100352xf32, #tpu.memory_space<vmem_shared>>)
      %dma_wait3A_251 = arith.constant 0 : i32
      %dma_wait3A_252 = tpu.memref_slice %arg50[%dma_wait3A_251] : memref<100352xf32, #tpu.memory_space<vmem_shared>> -> memref<100352xf32, #tpu.memory_space<vmem_shared>>
      tpu.wait_indirect_dma semaphore(%arg45 : memref<!tpu.dma_semaphore, #tpu.memory_space<semaphore_mem>>) src(%arg31 : memref<2000xf32, #tpu.memory_space<vmem>>) dst(%dma_wait3A_252 : memref<100352xf32, #tpu.memory_space<vmem_shared>>)
      %dma_wait3A_253 = arith.constant 0 : i32
      %dma_wait3A_254 = tpu.memref_slice %arg51[%dma_wait3A_253] : memref<100352xf32, #tpu.memory_space<vmem_shared>> -> memref<100352xf32, #tpu.memory_space<vmem_shared>>
      tpu.wait_indirect_dma semaphore(%arg45 : memref<!tpu.dma_semaphore, #tpu.memory_space<semaphore_mem>>) src(%arg32 : memref<2000xf32, #tpu.memory_space<vmem>>) dst(%dma_wait3A_254 : memref<100352xf32, #tpu.memory_space<vmem_shared>>)
      %dma_wait3A_255 = arith.constant 0 : i32
      %dma_wait3A_256 = tpu.memref_slice %arg49[%dma_wait3A_255] : memref<100352xf32, #tpu.memory_space<vmem_shared>> -> memref<100352xf32, #tpu.memory_space<vmem_shared>>
      tpu.wait_indirect_dma semaphore(%arg45 : memref<!tpu.dma_semaphore, #tpu.memory_space<semaphore_mem>>) src(%arg33 : memref<2000xf32, #tpu.memory_space<vmem>>) dst(%dma_wait3A_256 : memref<100352xf32, #tpu.memory_space<vmem_shared>>)
      %dma_wait3A_257 = arith.constant 0 : i32
      %dma_wait3A_258 = tpu.memref_slice %arg50[%dma_wait3A_257] : memref<100352xf32, #tpu.memory_space<vmem_shared>> -> memref<100352xf32, #tpu.memory_space<vmem_shared>>
      tpu.wait_indirect_dma semaphore(%arg45 : memref<!tpu.dma_semaphore, #tpu.memory_space<semaphore_mem>>) src(%arg34 : memref<2000xf32, #tpu.memory_space<vmem>>) dst(%dma_wait3A_258 : memref<100352xf32, #tpu.memory_space<vmem_shared>>)
      %dma_wait3A_259 = arith.constant 0 : i32
      %dma_wait3A_260 = tpu.memref_slice %arg51[%dma_wait3A_259] : memref<100352xf32, #tpu.memory_space<vmem_shared>> -> memref<100352xf32, #tpu.memory_space<vmem_shared>>
      tpu.wait_indirect_dma semaphore(%arg45 : memref<!tpu.dma_semaphore, #tpu.memory_space<semaphore_mem>>) src(%arg35 : memref<2000xf32, #tpu.memory_space<vmem>>) dst(%dma_wait3A_260 : memref<100352xf32, #tpu.memory_space<vmem_shared>>)
      %dma_start3A_261 = arith.constant 0 : i32
      %dma_start3A_262 = tpu.memref_slice %arg49[%dma_start3A_261] : memref<100352xf32, #tpu.memory_space<vmem_shared>> -> memref<100352xf32, #tpu.memory_space<vmem_shared>>
      tpu.enqueue_indirect_dma source(%arg36 : memref<2000xf32, #tpu.memory_space<vmem>>) target(%dma_start3A_262 : memref<100352xf32, #tpu.memory_space<vmem_shared>>) offsets(%arg16 : memref<2000xi32, #tpu.memory_space<vmem>>) semaphore(%arg45 : memref<!tpu.dma_semaphore, #tpu.memory_space<semaphore_mem>>) {add = true}
      %dma_start3A_263 = arith.constant 0 : i32
      %dma_start3A_264 = tpu.memref_slice %arg50[%dma_start3A_263] : memref<100352xf32, #tpu.memory_space<vmem_shared>> -> memref<100352xf32, #tpu.memory_space<vmem_shared>>
      tpu.enqueue_indirect_dma source(%arg37 : memref<2000xf32, #tpu.memory_space<vmem>>) target(%dma_start3A_264 : memref<100352xf32, #tpu.memory_space<vmem_shared>>) offsets(%arg16 : memref<2000xi32, #tpu.memory_space<vmem>>) semaphore(%arg45 : memref<!tpu.dma_semaphore, #tpu.memory_space<semaphore_mem>>) {add = true}
      %dma_start3A_265 = arith.constant 0 : i32
      %dma_start3A_266 = tpu.memref_slice %arg51[%dma_start3A_265] : memref<100352xf32, #tpu.memory_space<vmem_shared>> -> memref<100352xf32, #tpu.memory_space<vmem_shared>>
      tpu.enqueue_indirect_dma source(%arg38 : memref<2000xf32, #tpu.memory_space<vmem>>) target(%dma_start3A_266 : memref<100352xf32, #tpu.memory_space<vmem_shared>>) offsets(%arg16 : memref<2000xi32, #tpu.memory_space<vmem>>) semaphore(%arg45 : memref<!tpu.dma_semaphore, #tpu.memory_space<semaphore_mem>>) {add = true}
      %dma_start3A_267 = arith.constant 0 : i32
      %dma_start3A_268 = tpu.memref_slice %arg49[%dma_start3A_267] : memref<100352xf32, #tpu.memory_space<vmem_shared>> -> memref<100352xf32, #tpu.memory_space<vmem_shared>>
      tpu.enqueue_indirect_dma source(%arg39 : memref<2000xf32, #tpu.memory_space<vmem>>) target(%dma_start3A_268 : memref<100352xf32, #tpu.memory_space<vmem_shared>>) offsets(%arg17 : memref<2000xi32, #tpu.memory_space<vmem>>) semaphore(%arg45 : memref<!tpu.dma_semaphore, #tpu.memory_space<semaphore_mem>>) {add = true}
      %dma_start3A_269 = arith.constant 0 : i32
      %dma_start3A_270 = tpu.memref_slice %arg50[%dma_start3A_269] : memref<100352xf32, #tpu.memory_space<vmem_shared>> -> memref<100352xf32, #tpu.memory_space<vmem_shared>>
      tpu.enqueue_indirect_dma source(%arg40 : memref<2000xf32, #tpu.memory_space<vmem>>) target(%dma_start3A_270 : memref<100352xf32, #tpu.memory_space<vmem_shared>>) offsets(%arg17 : memref<2000xi32, #tpu.memory_space<vmem>>) semaphore(%arg45 : memref<!tpu.dma_semaphore, #tpu.memory_space<semaphore_mem>>) {add = true}
      %dma_start3A_271 = arith.constant 0 : i32
      %dma_start3A_272 = tpu.memref_slice %arg51[%dma_start3A_271] : memref<100352xf32, #tpu.memory_space<vmem_shared>> -> memref<100352xf32, #tpu.memory_space<vmem_shared>>
      tpu.enqueue_indirect_dma source(%arg41 : memref<2000xf32, #tpu.memory_space<vmem>>) target(%dma_start3A_272 : memref<100352xf32, #tpu.memory_space<vmem_shared>>) offsets(%arg17 : memref<2000xi32, #tpu.memory_space<vmem>>) semaphore(%arg45 : memref<!tpu.dma_semaphore, #tpu.memory_space<semaphore_mem>>) {add = true}
      %scan3A_273 = arith.constant 0 : i32
      scf.yield %scan3A_273 : i32
    }
    %scan3A_47 = arith.constant 50 : i32
    %dma_wait3A = arith.constant 0 : i32
    %dma_wait3A_48 = tpu.memref_slice %arg49[%dma_wait3A] : memref<100352xf32, #tpu.memory_space<vmem_shared>> -> memref<100352xf32, #tpu.memory_space<vmem_shared>>
    tpu.wait_indirect_dma semaphore(%arg45 : memref<!tpu.dma_semaphore, #tpu.memory_space<semaphore_mem>>) src(%arg36 : memref<2000xf32, #tpu.memory_space<vmem>>) dst(%dma_wait3A_48 : memref<100352xf32, #tpu.memory_space<vmem_shared>>)
    %dma_wait3A_49 = arith.constant 0 : i32
    %dma_wait3A_50 = tpu.memref_slice %arg50[%dma_wait3A_49] : memref<100352xf32, #tpu.memory_space<vmem_shared>> -> memref<100352xf32, #tpu.memory_space<vmem_shared>>
    tpu.wait_indirect_dma semaphore(%arg45 : memref<!tpu.dma_semaphore, #tpu.memory_space<semaphore_mem>>) src(%arg37 : memref<2000xf32, #tpu.memory_space<vmem>>) dst(%dma_wait3A_50 : memref<100352xf32, #tpu.memory_space<vmem_shared>>)
    %dma_wait3A_51 = arith.constant 0 : i32
    %dma_wait3A_52 = tpu.memref_slice %arg51[%dma_wait3A_51] : memref<100352xf32, #tpu.memory_space<vmem_shared>> -> memref<100352xf32, #tpu.memory_space<vmem_shared>>
    tpu.wait_indirect_dma semaphore(%arg45 : memref<!tpu.dma_semaphore, #tpu.memory_space<semaphore_mem>>) src(%arg38 : memref<2000xf32, #tpu.memory_space<vmem>>) dst(%dma_wait3A_52 : memref<100352xf32, #tpu.memory_space<vmem_shared>>)
    %dma_wait3A_53 = arith.constant 0 : i32
    %dma_wait3A_54 = tpu.memref_slice %arg49[%dma_wait3A_53] : memref<100352xf32, #tpu.memory_space<vmem_shared>> -> memref<100352xf32, #tpu.memory_space<vmem_shared>>
    tpu.wait_indirect_dma semaphore(%arg45 : memref<!tpu.dma_semaphore, #tpu.memory_space<semaphore_mem>>) src(%arg39 : memref<2000xf32, #tpu.memory_space<vmem>>) dst(%dma_wait3A_54 : memref<100352xf32, #tpu.memory_space<vmem_shared>>)
    %dma_wait3A_55 = arith.constant 0 : i32
    %dma_wait3A_56 = tpu.memref_slice %arg50[%dma_wait3A_55] : memref<100352xf32, #tpu.memory_space<vmem_shared>> -> memref<100352xf32, #tpu.memory_space<vmem_shared>>
    tpu.wait_indirect_dma semaphore(%arg45 : memref<!tpu.dma_semaphore, #tpu.memory_space<semaphore_mem>>) src(%arg40 : memref<2000xf32, #tpu.memory_space<vmem>>) dst(%dma_wait3A_56 : memref<100352xf32, #tpu.memory_space<vmem_shared>>)
    %dma_wait3A_57 = arith.constant 0 : i32
    %dma_wait3A_58 = tpu.memref_slice %arg51[%dma_wait3A_57] : memref<100352xf32, #tpu.memory_space<vmem_shared>> -> memref<100352xf32, #tpu.memory_space<vmem_shared>>
    tpu.wait_indirect_dma semaphore(%arg45 : memref<!tpu.dma_semaphore, #tpu.memory_space<semaphore_mem>>) src(%arg41 : memref<2000xf32, #tpu.memory_space<vmem>>) dst(%dma_wait3A_58 : memref<100352xf32, #tpu.memory_space<vmem_shared>>)
    %barrier3A_59 = arith.constant 0 : index
    tpu.barrier barrier_id(%barrier3A_59)
    "tpu.region"() ({
      %run_scoped3A = tpu.sem_alloc : memref<!tpu.dma_semaphore, #tpu.memory_space<semaphore_mem>>
      %dma_start3A_81 = tpu.memref_slice %arg49[%mul3A_2] : memref<100352xf32, #tpu.memory_space<vmem_shared>> -> memref<6272xf32, #tpu.memory_space<vmem_shared>>
      %dma_start3A_82 = tpu.memref_slice %arg49[%mul3A_2] : memref<100352xf32, #tpu.memory_space<vmem_shared>> -> memref<6272xf32, #tpu.memory_space<vmem_shared>>
      tpu.enqueue_dma source(%dma_start3A_82 : memref<6272xf32, #tpu.memory_space<vmem_shared>>) target(%arg42 : memref<6272xf32, #tpu.memory_space<vmem>>) target_semaphore(%run_scoped3A : memref<!tpu.dma_semaphore, #tpu.memory_space<semaphore_mem>>)
      %dma_wait3A_83 = tpu.memref_slice %arg49[%mul3A_2] : memref<100352xf32, #tpu.memory_space<vmem_shared>> -> memref<6272xf32, #tpu.memory_space<vmem_shared>>
      %dma_wait3A_84 = tpu.memref_slice %arg49[%mul3A_2] : memref<100352xf32, #tpu.memory_space<vmem_shared>> -> memref<6272xf32, #tpu.memory_space<vmem_shared>>
      tpu.wait_dma2 semaphore(%run_scoped3A : memref<!tpu.dma_semaphore, #tpu.memory_space<semaphore_mem>>) src(%dma_wait3A_84 : memref<6272xf32, #tpu.memory_space<vmem_shared>>) dst(%arg42 : memref<6272xf32, #tpu.memory_space<vmem>>)
      tpu.yield
    }) : () -> ()
    %mul3A_60 = arith.constant 3 : i32
    %mul3A_61 = arith.muli %arg0, %mul3A_60 : i32
    %add3A_62 = arith.constant 0 : i32
    %add3A_63 = arith.addi %mul3A_61, %add3A_62 : i32
    %mul3A_64 = arith.constant 100352 : i32
    %mul3A_65 = arith.muli %add3A_63, %mul3A_64 : i32
    %add3A_66 = arith.addi %mul3A_65, %mul3A_2 : i32
    "tpu.region"() ({
      %run_scoped3A = tpu.sem_alloc : memref<!tpu.dma_semaphore, #tpu.memory_space<semaphore_mem>>
      %dma_start3A_81 = tpu.memref_slice %arg13[%add3A_66] : memref<602112xf32, #tpu.memory_space<hbm>> -> memref<6272xf32, #tpu.memory_space<hbm>>
      %dma_start3A_82 = tpu.memref_slice %arg13[%add3A_66] : memref<602112xf32, #tpu.memory_space<hbm>> -> memref<6272xf32, #tpu.memory_space<hbm>>
      tpu.enqueue_dma source(%arg42 : memref<6272xf32, #tpu.memory_space<vmem>>) target(%dma_start3A_82 : memref<6272xf32, #tpu.memory_space<hbm>>) target_semaphore(%run_scoped3A : memref<!tpu.dma_semaphore, #tpu.memory_space<semaphore_mem>>)
      %dma_wait3A_83 = tpu.memref_slice %arg13[%add3A_66] : memref<602112xf32, #tpu.memory_space<hbm>> -> memref<6272xf32, #tpu.memory_space<hbm>>
      %dma_wait3A_84 = tpu.memref_slice %arg13[%add3A_66] : memref<602112xf32, #tpu.memory_space<hbm>> -> memref<6272xf32, #tpu.memory_space<hbm>>
      tpu.wait_dma2 semaphore(%run_scoped3A : memref<!tpu.dma_semaphore, #tpu.memory_space<semaphore_mem>>) src(%arg42 : memref<6272xf32, #tpu.memory_space<vmem>>) dst(%dma_wait3A_84 : memref<6272xf32, #tpu.memory_space<hbm>>)
      tpu.yield
    }) : () -> ()
    "tpu.region"() ({
      %run_scoped3A = tpu.sem_alloc : memref<!tpu.dma_semaphore, #tpu.memory_space<semaphore_mem>>
      %dma_start3A_81 = tpu.memref_slice %arg50[%mul3A_2] : memref<100352xf32, #tpu.memory_space<vmem_shared>> -> memref<6272xf32, #tpu.memory_space<vmem_shared>>
      %dma_start3A_82 = tpu.memref_slice %arg50[%mul3A_2] : memref<100352xf32, #tpu.memory_space<vmem_shared>> -> memref<6272xf32, #tpu.memory_space<vmem_shared>>
      tpu.enqueue_dma source(%dma_start3A_82 : memref<6272xf32, #tpu.memory_space<vmem_shared>>) target(%arg42 : memref<6272xf32, #tpu.memory_space<vmem>>) target_semaphore(%run_scoped3A : memref<!tpu.dma_semaphore, #tpu.memory_space<semaphore_mem>>)
      %dma_wait3A_83 = tpu.memref_slice %arg50[%mul3A_2] : memref<100352xf32, #tpu.memory_space<vmem_shared>> -> memref<6272xf32, #tpu.memory_space<vmem_shared>>
      %dma_wait3A_84 = tpu.memref_slice %arg50[%mul3A_2] : memref<100352xf32, #tpu.memory_space<vmem_shared>> -> memref<6272xf32, #tpu.memory_space<vmem_shared>>
      tpu.wait_dma2 semaphore(%run_scoped3A : memref<!tpu.dma_semaphore, #tpu.memory_space<semaphore_mem>>) src(%dma_wait3A_84 : memref<6272xf32, #tpu.memory_space<vmem_shared>>) dst(%arg42 : memref<6272xf32, #tpu.memory_space<vmem>>)
      tpu.yield
    }) : () -> ()
    %mul3A_67 = arith.constant 3 : i32
    %mul3A_68 = arith.muli %arg0, %mul3A_67 : i32
    %add3A_69 = arith.constant 1 : i32
    %add3A_70 = arith.addi %mul3A_68, %add3A_69 : i32
    %mul3A_71 = arith.constant 100352 : i32
    %mul3A_72 = arith.muli %add3A_70, %mul3A_71 : i32
    %add3A_73 = arith.addi %mul3A_72, %mul3A_2 : i32
    "tpu.region"() ({
      %run_scoped3A = tpu.sem_alloc : memref<!tpu.dma_semaphore, #tpu.memory_space<semaphore_mem>>
      %dma_start3A_81 = tpu.memref_slice %arg13[%add3A_73] : memref<602112xf32, #tpu.memory_space<hbm>> -> memref<6272xf32, #tpu.memory_space<hbm>>
      %dma_start3A_82 = tpu.memref_slice %arg13[%add3A_73] : memref<602112xf32, #tpu.memory_space<hbm>> -> memref<6272xf32, #tpu.memory_space<hbm>>
      tpu.enqueue_dma source(%arg42 : memref<6272xf32, #tpu.memory_space<vmem>>) target(%dma_start3A_82 : memref<6272xf32, #tpu.memory_space<hbm>>) target_semaphore(%run_scoped3A : memref<!tpu.dma_semaphore, #tpu.memory_space<semaphore_mem>>)
      %dma_wait3A_83 = tpu.memref_slice %arg13[%add3A_73] : memref<602112xf32, #tpu.memory_space<hbm>> -> memref<6272xf32, #tpu.memory_space<hbm>>
      %dma_wait3A_84 = tpu.memref_slice %arg13[%add3A_73] : memref<602112xf32, #tpu.memory_space<hbm>> -> memref<6272xf32, #tpu.memory_space<hbm>>
      tpu.wait_dma2 semaphore(%run_scoped3A : memref<!tpu.dma_semaphore, #tpu.memory_space<semaphore_mem>>) src(%arg42 : memref<6272xf32, #tpu.memory_space<vmem>>) dst(%dma_wait3A_84 : memref<6272xf32, #tpu.memory_space<hbm>>)
      tpu.yield
    }) : () -> ()
    "tpu.region"() ({
      %run_scoped3A = tpu.sem_alloc : memref<!tpu.dma_semaphore, #tpu.memory_space<semaphore_mem>>
      %dma_start3A_81 = tpu.memref_slice %arg51[%mul3A_2] : memref<100352xf32, #tpu.memory_space<vmem_shared>> -> memref<6272xf32, #tpu.memory_space<vmem_shared>>
      %dma_start3A_82 = tpu.memref_slice %arg51[%mul3A_2] : memref<100352xf32, #tpu.memory_space<vmem_shared>> -> memref<6272xf32, #tpu.memory_space<vmem_shared>>
      tpu.enqueue_dma source(%dma_start3A_82 : memref<6272xf32, #tpu.memory_space<vmem_shared>>) target(%arg42 : memref<6272xf32, #tpu.memory_space<vmem>>) target_semaphore(%run_scoped3A : memref<!tpu.dma_semaphore, #tpu.memory_space<semaphore_mem>>)
      %dma_wait3A_83 = tpu.memref_slice %arg51[%mul3A_2] : memref<100352xf32, #tpu.memory_space<vmem_shared>> -> memref<6272xf32, #tpu.memory_space<vmem_shared>>
      %dma_wait3A_84 = tpu.memref_slice %arg51[%mul3A_2] : memref<100352xf32, #tpu.memory_space<vmem_shared>> -> memref<6272xf32, #tpu.memory_space<vmem_shared>>
      tpu.wait_dma2 semaphore(%run_scoped3A : memref<!tpu.dma_semaphore, #tpu.memory_space<semaphore_mem>>) src(%dma_wait3A_84 : memref<6272xf32, #tpu.memory_space<vmem_shared>>) dst(%arg42 : memref<6272xf32, #tpu.memory_space<vmem>>)
      tpu.yield
    }) : () -> ()
    %mul3A_74 = arith.constant 3 : i32
    %mul3A_75 = arith.muli %arg0, %mul3A_74 : i32
    %add3A_76 = arith.constant 2 : i32
    %add3A_77 = arith.addi %mul3A_75, %add3A_76 : i32
    %mul3A_78 = arith.constant 100352 : i32
    %mul3A_79 = arith.muli %add3A_77, %mul3A_78 : i32
    %add3A_80 = arith.addi %mul3A_79, %mul3A_2 : i32
    "tpu.region"() ({
      %run_scoped3A = tpu.sem_alloc : memref<!tpu.dma_semaphore, #tpu.memory_space<semaphore_mem>>
      %dma_start3A_81 = tpu.memref_slice %arg13[%add3A_80] : memref<602112xf32, #tpu.memory_space<hbm>> -> memref<6272xf32, #tpu.memory_space<hbm>>
      %dma_start3A_82 = tpu.memref_slice %arg13[%add3A_80] : memref<602112xf32, #tpu.memory_space<hbm>> -> memref<6272xf32, #tpu.memory_space<hbm>>
      tpu.enqueue_dma source(%arg42 : memref<6272xf32, #tpu.memory_space<vmem>>) target(%dma_start3A_82 : memref<6272xf32, #tpu.memory_space<hbm>>) target_semaphore(%run_scoped3A : memref<!tpu.dma_semaphore, #tpu.memory_space<semaphore_mem>>)
      %dma_wait3A_83 = tpu.memref_slice %arg13[%add3A_80] : memref<602112xf32, #tpu.memory_space<hbm>> -> memref<6272xf32, #tpu.memory_space<hbm>>
      %dma_wait3A_84 = tpu.memref_slice %arg13[%add3A_80] : memref<602112xf32, #tpu.memory_space<hbm>> -> memref<6272xf32, #tpu.memory_space<hbm>>
      tpu.wait_dma2 semaphore(%run_scoped3A : memref<!tpu.dma_semaphore, #tpu.memory_space<semaphore_mem>>) src(%arg42 : memref<6272xf32, #tpu.memory_space<vmem>>) dst(%dma_wait3A_84 : memref<6272xf32, #tpu.memory_space<hbm>>)
      tpu.yield
    }) : () -> ()
    return
  }
}

module attributes {stable_mosaic.version = 14 : i64} {
  func.func @_loss_body(%arg0: memref<2x3x100352xf32, #tpu.memory_space<vmem>>, %arg1: memref<3x100352xf32, #tpu.memory_space<vmem>>, %arg2: memref<1x100352xf32, #tpu.memory_space<vmem>>, %arg3: memref<1x1xf32, #tpu.memory_space<smem>>) attributes {dimension_semantics = [], scalar_prefetch = 0 : i64, scratch_operands = 0 : i64, tpu.core_type = #tpu.core_type<tc>} {
    %get3A = arith.constant 0 : index
    %get3A_0 = arith.constant 0 : index
    %get3A_1 = arith.constant 0 : index
    %get3A_2 = vector.load %arg0[%get3A, %get3A_0, %get3A_1] : memref<2x3x100352xf32, #tpu.memory_space<vmem>>, vector<1x3x100352xf32>
    %get3A_3 = vector.shape_cast %get3A_2 : vector<1x3x100352xf32> to vector<3x100352xf32>
    %get3A_4 = arith.constant 1 : index
    %get3A_5 = arith.constant 0 : index
    %get3A_6 = arith.constant 0 : index
    %get3A_7 = vector.load %arg0[%get3A_4, %get3A_5, %get3A_6] : memref<2x3x100352xf32, #tpu.memory_space<vmem>>, vector<1x3x100352xf32>
    %get3A_8 = vector.shape_cast %get3A_7 : vector<1x3x100352xf32> to vector<3x100352xf32>
    %add3A = arith.addf %get3A_3, %get3A_8 : vector<3x100352xf32>
    %get3A_9 = arith.constant 0 : index
    %get3A_10 = arith.constant 0 : index
    %get3A_11 = vector.load %arg1[%get3A_9, %get3A_10] : memref<3x100352xf32, #tpu.memory_space<vmem>>, vector<3x100352xf32>
    %add3A_12 = arith.addf %add3A, %get3A_11 : vector<3x100352xf32>
    %get3A_13 = arith.constant 0 : index
    %get3A_14 = arith.constant 0 : index
    %get3A_15 = vector.load %arg2[%get3A_13, %get3A_14] : memref<1x100352xf32, #tpu.memory_space<vmem>>, vector<1x100352xf32>
    %lt3A = arith.constant 5.000000e-01 : f32
    %lt3A_16 = vector.broadcast %lt3A : f32 to vector<1x100352xf32>
    %lt3A_17 = arith.cmpf olt, %get3A_15, %lt3A_16 : vector<1x100352xf32>
    %broadcast_in_dim3A = vector.shape_cast %lt3A_17 : vector<1x100352xi1> to vector<1x100352xi1>
    %broadcast_in_dim3A_18 = vector.broadcast %broadcast_in_dim3A : vector<1x100352xi1> to vector<3x100352xi1>
    %mul3A = arith.mulf %add3A_12, %add3A_12 : vector<3x100352xf32>
    %broadcast_in_dim3A_19 = arith.constant 0.000000e+00 : f32
    %broadcast_in_dim3A_20 = vector.broadcast %broadcast_in_dim3A_19 : f32 to vector<3x100352xf32>
    %select_n3A = arith.select %broadcast_in_dim3A_18, %mul3A, %broadcast_in_dim3A_20 : vector<3x100352xi1>, vector<3x100352xf32>
    %jit3A = arith.constant 1.000000e+00 : f32
    %jit3A_21 = arith.constant 0.000000e+00 : f32
    %broadcast_in_dim3A_22 = vector.broadcast %jit3A : f32 to vector<1x100352xf32>
    %broadcast_in_dim3A_23 = vector.broadcast %jit3A_21 : f32 to vector<1x100352xf32>
    %select_n3A_24 = arith.select %lt3A_17, %broadcast_in_dim3A_22, %broadcast_in_dim3A_23 : vector<1x100352xi1>, vector<1x100352xf32>
    %reduce_sum3A = vector.shape_cast %select_n3A_24 : vector<1x100352xf32> to vector<1x1x100352xf32>
    %reduce_sum3A_25 = arith.constant dense<0.000000e+00> : vector<1xf32>
    %reduce_sum3A_26 = vector.multi_reduction <add>, %reduce_sum3A, %reduce_sum3A_25 [1, 2] : vector<1x1x100352xf32> to vector<1xf32>
    %reduce_sum3A_27 = vector.shape_cast %reduce_sum3A_26 : vector<1xf32> to vector<1x1x1xf32>
    %reduce_sum3A_28 = vector.extract %reduce_sum3A_27[0, 0, 0] : f32 from vector<1x1x1xf32>
    %reduce_sum3A_29 = vector.shape_cast %select_n3A : vector<3x100352xf32> to vector<1x3x100352xf32>
    %reduce_sum3A_30 = arith.constant dense<0.000000e+00> : vector<1xf32>
    %reduce_sum3A_31 = vector.multi_reduction <add>, %reduce_sum3A_29, %reduce_sum3A_30 [1, 2] : vector<1x3x100352xf32> to vector<1xf32>
    %reduce_sum3A_32 = vector.shape_cast %reduce_sum3A_31 : vector<1xf32> to vector<1x1x1xf32>
    %reduce_sum3A_33 = vector.extract %reduce_sum3A_32[0, 0, 0] : f32 from vector<1x1x1xf32>
    %mul3A_34 = arith.constant 3.000000e+00 : f32
    %mul3A_35 = arith.mulf %reduce_sum3A_28, %mul3A_34 : f32
    %div3A = arith.divf %reduce_sum3A_33, %mul3A_35 : f32
    %swap3A = arith.constant 0 : index
    %swap3A_36 = arith.constant 0 : index
    %swap3A_37 = memref.load %arg3[%swap3A, %swap3A_36] : memref<1x1xf32, #tpu.memory_space<smem>>
    memref.store %div3A, %arg3[%swap3A, %swap3A_36] : memref<1x1xf32, #tpu.memory_space<smem>>
    return
  }
}

</mosaic_0001>

<sc_bundles>
// kernel: kernel.4.cloned.1.call-start
scs
__scs_entry_jumppad:
0x0: {  	(pc) =	sbr.rel $0x88, $3  }
0x1: {  	(tag) =	ssettag $0x0;
	lr =	simm.s32 $0x1  }
0x2: {  	[smem:$0x3F99] =	sst lr;
	_ =	strace $0xD0000000  }
0x3: {  	_ = 	snop  }
0x4: {  	_ = 	snop  }
0x5: {  	_ = 	snop  }
0x6: {  	_ = 	snop  }
0x7: {  	_ = 	snop  }
__scs_overlays_trampoline_lowered:
0x8: {  	[smem:$0x3FA8] =	sst s0  }
0x9: {  	[smem:$0x3FA9] =	sst s1  }
0xa: {  	[smem:$0x3FAA] =	sst s2  }
0xb: {  	[smem:$0x3FAB] =	sst s3  }
0xc: {  	[smem:$0x3FAC] =	sst s4  }
0xd: {  	[smem:$0x3FAD] =	sst s5  }
0xe: {  	[smem:$0x3FAE] =	sst s6  }
0xf: {  	[smem:$0x3FAF] =	sst s7  }
0x10: {  	[smem:$0x3FB0] =	sst s8  }
0x11: {  	[smem:$0x3FB1] =	sst s9;
	s0 =	simm.s32 @!p0 $0x0  }
0x12: {  	s1 =	sld [smem:$0x3F97];
	s0 =	simm.s32 @p0 $0x1  }
0x13: {  	[smem:$0x3FB2] =	sst s0;
	s0 =	simm.s32 @!p1 $0x0  }
0x14: {  	s2 =	sld [smem:$0x3F96];
	s0 =	simm.s32 @p1 $0x1  }
0x15: {  	[smem:$0x3FB3] =	sst s0;
	s0 =	simm.s32 @!p2 $0x0  }
0x16: {  	s3 =	sld [smem:$0x3FDB];
	s0 =	simm.s32 @p2 $0x1  }
0x17: {  	s4 =	simm.s32 $0x1BF5;
	[smem:$0x3FB5] =	sst s0  }
0x18: {  	s0 =	sld [smem:$0x3F98];
	_ =	swait.ge [sflag:s4], $0x0  }
0x19: {  	s7 =	sld [smem:$0x3F99]  }
0x1a: {  	s8 =	sadd.s32 $0xFFFFE003, lr  }
0x1b: {  	s9 =	sadd.s32 $0xFFFFFEF7, lr;
	s5 =	simm.s32 $0xFFFFFFFF;
	p2 =	slt.u32 s8, $0xFFFFF086  }
0x1c: {  	p1 =	slt.u32 s9, $0xF7A;
	s5 =	simm.s32 @!p2 $0x0  }
0x1d: {  	s5 =	simm.s32 @p1 $0x1;
	p0 =	seq.s32 s7, s2  }
0x1e: {  	s7 =	smul.u32 @!p0 $0xF7A, s2;
	p2 =	seq.s32 @!p0 s5, $0x0  }
0x1f: {  	s9 =	smul.u32 $0xF7A, s1;
	s8 =	simm.s32 @!p0 $0x1BF5;
	p2 =	por !p2, p0  }
0x20: {  	[sflag:s8] =	ssyncset.s32 @!p0 $0xFFFFF086;
	s6 =	sadd.s32 @!p0 s3, s7;
	s7 =	simm.s32 @!p0 $0x108  }
0x21: {  	s3 =	sadd.s32 s3, s9;
	s6 =	sadd.s32 @!p0 $0x88, s6;
	s7 =	simm.s32 @p2 $0x1082  }
0x22: {  	[simem:s7], [sflag:s8] =	dma.local @!p0 [hbm:s6], $0xF7A  }
0x23: {  	s9 =	sor.u32 $0xD0000000, s2;
	s6 =	simm.s32 $0x108;
	_ =	swait.ge @!p0 [sflag:s8], $0x0  }
0x24: {  	s3 =	sadd.s32 $0x88, s3;
	s6 =	simm.s32 @!p1 $0x1082;
	[sflag:s4] =	ssyncset.s32 $0xFFFFF086  }
0x25: {  	[simem:s6], [sflag:s4] =	dma.local [hbm:s3], $0xF7A  }
0x26: {  	[smem:$0x3F99] =	sst s1;
	(tag) =	ssettag s2;
	_ =	strace s9  }
0x27: {  	s1 =	sld [smem:$0x3FA9]  }
0x28: {  	s2 =	sld [smem:$0x3FAA]  }
0x29: {  	s4 =	sld [smem:$0x3FAC]  }
0x2a: {  	p0 =	seq.s32 s5, $0x0;
	s5 =	sld [smem:$0x3FAD]  }
0x2b: {  	s6 =	sld [smem:$0x3FAE]  }
0x2c: {  	s7 =	sld [smem:$0x3FAF]  }
0x2d: {  	s3 =	simm.s32 $0x108;
	s8 =	sld [smem:$0x3FB0]  }
0x2e: {  	s3 =	simm.s32 @!p0 $0x1082;
	s9 =	sld [smem:$0x3FB1]  }
0x2f: {  	lr =	sadd.s32 s0, s3;
	s0 =	sld [smem:$0x3FA8]  }
0x30: {  	s3 =	sld [smem:$0x3FAB]  }
0x31: {  	[smem:$0x3FB4] =	sst s10  }
0x32: {  	s10 =	sld [smem:$0x3FB2];
	_ =	sdelay $0x3  }
0x33: {  	p0 =	seq.s32 s10, $0x1;
	s10 =	sld [smem:$0x3FB4];
	_ =	sdelay $0x3  }
0x34: {  	[smem:$0x3FB4] =	sst s10  }
0x35: {  	s10 =	sld [smem:$0x3FB3];
	_ =	sdelay $0x3  }
0x36: {  	p1 =	seq.s32 s10, $0x1;
	s10 =	sld [smem:$0x3FB4];
	_ =	sdelay $0x3  }
0x37: {  	[smem:$0x3FB4] =	sst s10  }
0x38: {  	s10 =	sld [smem:$0x3FB5]  }
0x39: {  	_ = 	snop;
	(pc) =	sbr.ind lr, $3  }
0x3a: {  	_ = 	snop  }
0x3b: {  	_ = 	snop  }
0x3c: {  	p2 =	seq.s32 s10, $0x1;
	s10 =	sld [smem:$0x3FB4]  }
0x3d: {  	_ =	shalt  }
0x3e: {  	_ =	shalt  }
0x3f: {  	_ =	shalt  }
0x40: {  	_ =	shalt  }
0x41: {  	_ =	shalt  }
0x42: {  	_ =	shalt  }
0x43: {  	_ =	shalt  }
0x44: {  	_ =	shalt  }
0x45: {  	_ =	shalt  }
0x46: {  	_ =	shalt  }
0x47: {  	_ =	shalt  }
0x48: {  	_ =	shalt  }
0x49: {  	_ =	shalt  }
0x4a: {  	_ =	shalt  }
0x4b: {  	_ =	shalt  }
0x4c: {  	_ =	shalt  }
0x4d: {  	_ =	shalt  }
0x4e: {  	_ =	shalt  }
0x4f: {  	_ =	shalt  }
0x50: {  	_ =	shalt  }
0x51: {  	_ =	shalt  }
0x52: {  	_ =	shalt  }
0x53: {  	_ =	shalt  }
0x54: {  	_ =	shalt  }
0x55: {  	_ =	shalt  }
0x56: {  	_ =	shalt  }
0x57: {  	_ =	shalt  }
0x58: {  	_ =	shalt  }
0x59: {  	_ =	shalt  }
0x5a: {  	_ =	shalt  }
0x5b: {  	_ =	shalt  }
0x5c: {  	_ =	shalt  }
0x5d: {  	_ =	shalt  }
0x5e: {  	_ =	shalt  }
0x5f: {  	_ =	shalt  }
0x60: {  	_ =	shalt  }
0x61: {  	_ =	shalt  }
0x62: {  	_ =	shalt  }
0x63: {  	_ =	shalt  }
0x64: {  	_ =	shalt  }
0x65: {  	_ =	shalt  }
0x66: {  	_ =	shalt  }
0x67: {  	_ =	shalt  }
0x68: {  	_ =	shalt  }
0x69: {  	_ =	shalt  }
0x6a: {  	_ =	shalt  }
0x6b: {  	_ =	shalt  }
0x6c: {  	_ =	shalt  }
0x6d: {  	_ =	shalt  }
0x6e: {  	_ =	shalt  }
0x6f: {  	_ =	shalt  }
0x70: {  	_ =	shalt  }
0x71: {  	_ =	shalt  }
0x72: {  	_ =	shalt  }
0x73: {  	_ =	shalt  }
0x74: {  	_ =	shalt  }
0x75: {  	_ =	shalt  }
0x76: {  	_ =	shalt  }
0x77: {  	_ =	shalt  }
0x78: {  	_ =	shalt  }
0x79: {  	_ =	shalt  }
0x7a: {  	_ =	shalt  }
0x7b: {  	_ =	shalt  }
0x7c: {  	_ =	shalt  }
0x7d: {  	_ =	shalt  }
0x7e: {  	_ =	shalt  }
0x7f: {  	_ =	shalt  }
0x80: {  	_ =	shalt  }
0x81: {  	_ =	shalt  }
0x82: {  	_ =	shalt  }
0x83: {  	_ =	shalt  }
0x84: {  	_ =	shalt  }
0x85: {  	_ =	shalt  }
0x86: {  	_ =	shalt  }
0x87: {  	_ =	shalt  }
.Lfunc_end0:
.L_simem_size_0:
called_computation_lowered:
.L_overlay_start_0:
0x88: {  	s2 =	sld [smem:$0x3FD9]  }
0x89: {  	s3 =	sld [smem:$0x3FFE];
	_ =	sdelay $0x1  }
0x8a: {  	s1 =	srdreg.scid  }
0x8b: {  	s0 =	sand.u32 $0x1, s1  }
0x8c: {  	s17 =	sshll.u32 s0, $0xA;
	s2 =	sadd.s32 s3, s2  }
0x8d: {  	s2 =	sadd.s32 s2, s17  }
0x8e: {  	[smem:$0x3FC0] =	sst s2  }
0x8f: {  	_ = 	snop  }
0x90: {  	s2 =	sld [smem:$0x3FC6]  }
0x91: {  	s18 =	sld [smem:$0x3FC5]  }
0x92: {  	s4 =	sld [smem:$0x3FC4];
	(tm) =	ssettm $0x1  }
0x93: {  	s5 =	sld [smem:$0x3FFB];
	_ =	sdelay $0x3  }
0x94: {  	_ =	strace s5  }
0x95: {  	s5 =	sld [smem:$0x3FFC];
	_ =	sdelay $0x3  }
0x96: {  	_ =	strace s5  }
0x97: {  	s5 =	sld [smem:$0x3FFD];
	_ =	sdelay $0x3  }
0x98: {  	_ =	strace s5  }
0x99: {  	_ =	strace $0x8FFFFFFF  }
0x9a: {  	s19 =	sld [smem:$0x3FDB];
	_ =	sdelay $0x1  }
0x9b: {  	s6 =	simm.s32 $_scs_section_size  }
0x9c: {  	s7 =	simm.s32 $_size__tile_overlayer_lowered;
	s8 =	simm.s32 $_tile_overlayer_lowered  }
0x9d: {  	s22 =	simm.s32 $0x1BFF;
	s21 =	sshll.u32 s8, $0x1;
	s5 =	sadd.s32 s6, s19  }
0x9e: {  	s9 =	simm.s32 $0x0;
	s20 =	sshll.u32 s7, $0x1;
	s7 =	sadd.s32 s21, s5  }
0x9f: {  	[timem:s9], [sflag:s22] =	dma.local [hbm:s7], s20  }
0xa0: {  	_ =	swait.ge [sflag:s22], s20  }
0xa1: {  	s6 =	ssub.s32 $0x0, s20;
	[sflag:s22] =	ssyncset.done $0x0  }
0xa2: {  	[sflag:s22] =	ssyncadd.s32 s6;
	_ =	sdelay $0x1  }
0xa3: {  	s23 =	simm.s32 $0x1B8B  }
0xa4: {  	_ =	swait.ge [sflag:s23], $0x1  }
0xa5: {  	[sflag:s23] =	ssyncset.done $0x0  }
0xa6: {  	s25 =	simm.s32 $0x1B8E;
	s24 =	sld [smem:$0x3FFE];
	[sflag:s23] =	ssyncadd.s32 $0xFFFFFFFF  }
0xa7: {  	s26 =	simm.s32 $execute0_lowered;
	[smem:$0x3FD2] =	sst s25  }
0xa8: {  	s7 =	sshll.u32 s26, $0x1;
	_ =	strace $0x80000046;
	[dreg:$0x1] =	wrdreg $0xFFFFFFFF  }
0xa9: {  	s28 =	simm.s32 $_size_execute0_lowered;
	s5 =	sadd.s32 s5, s7;
	[dreg:$0x0] =	wrdreg $0x0  }
0xaa: {  	s7 =	sshll.u32 s28, $0x1;
	[dreg:$0x2] =	wrdreg s5  }
0xab: {  	[dreg:$0x3] =	wrdreg s7  }
0xac: {  	[dreg:$0x4] =	wrdreg $0xC0  }
0xad: {  	_ =	task [dreg:s9], $0x5FFFF  }
0xae: {  	[dreg:$0x1] =	wrdreg $0xFFFFFFFF  }
0xaf: {  	[dreg:$0x0] =	wrdreg $0x60  }
0xb0: {  	[dreg:$0x2] =	wrdreg s24  }
0xb1: {  	[dreg:$0x3] =	wrdreg s18  }
0xb2: {  	[dreg:$0x4] =	wrdreg s4  }
0xb3: {  	[dreg:$0x5] =	wrdreg s2  }
0xb4: {  	[dreg:$0x6] =	wrdreg $0x142000  }
0xb5: {  	[dreg:$0x7] =	wrdreg $0x15A800  }
0xb6: {  	[dreg:$0x8] =	wrdreg $0x173000  }
0xb7: {  	[dreg:$0x9] =	wrdreg $0xF8800  }
0xb8: {  	[dreg:$0xa] =	wrdreg $0x111000  }
0xb9: {  	[dreg:$0xb] =	wrdreg $0x129800  }
0xba: {  	[dreg:$0xc] =	wrdreg $0x9  }
0xbb: {  	_ =	task.clear_ibuf [dreg:s9], $0xDFFFF;
	_ =	strace $0x90000046  }
0xbc: {  	s29 =	simm.s32 $0x9;
	_ =	strace $0x80000048  }
0xbd: {  	_ =	swait.ge [sflag:s29], $0x1  }
0xbe: {  	[sflag:s29] =	ssyncadd.s32 $0xFFFFFFFF  }
0xbf: {  	_ =	strace $0x90000048  }
0xc0: {  	_ =	sfence  }
0xc1: {  	s30 =	sld [smem:$0x0];
	_ =	sdelay $0x2  }
0xc2: {  	s31 =	sshll.u32 s1, $0xD;
	s1 =	sshrl.u32 s1, $0x2  }
0xc3: {  	s3 =	sand.u32 $0x4000, s31;
	s1 =	sadd.s32 s1, s30  }
0xc4: {  	s0 =	sor.u32 s3, s0;
	s1 =	sshll.u32 s1, $0x11  }
0xc5: {  	s0 =	sor.u32 s1, s0  }
0xc6: {  	s0 =	sadd.s32 $0x8F2B, s0  }
0xc7: {  	[sflag:s0] =	ssyncadd.remote.s32 $0x1  }
0xc8: {  	_ =	sfence.sel $0xFFFF  }
0xc9: {  	[dreg:$0x0] =	wrdreg $0xFFFFFFFF;
	(pc) =	sbr.abs _section_cstart, $3  }
0xca: {  	[dreg:$0x1] =	wrdreg $0xFFFFFFFF  }
0xcb: {  	_ =	task.clear_ibuf [dreg:s9], $0x2FFFF;
	_ =	strace $0x9FFFFFFF  }
0xcc: {  	(tm) =	ssettm $0x7FFFFFFF  }
0xcd: {  	_ =	shalt  }
tec
execute0_lowered:
.L_overlay_start_1:
0x0: {  	(tag) =	ssettag $0x1  }
0x1: {  	s26 =	rddreg [dreg:$0x0]  }
0x2: {  	s5 =	rddreg [dreg:$0x4]  }
0x3: {  	s6 =	rddreg [dreg:$0x5]  }
0x4: {  	s7 =	rddreg [dreg:$0x6]  }
0x5: {  	s9 =	rddreg [dreg:$0x7]  }
0x6: {  	s10 =	rddreg [dreg:$0x8]  }
0x7: {  	s11 =	rddreg [dreg:$0x9]  }
0x8: {  	s12 =	stileid.u32;
	s0 =	srdreg.scid  }
0x9: {  	s2 =	simm.s32 $0x0;
	s28 =	simm.s32 $0x4;
	s29 =	simm.s32 $0x1  }
0xa: {  	s1 =	smul.u32 $0x1880, s12;
	s0 =	sand.u32 $0x1, s0;
	[smem:$0x7FF] =	sst s2  }
0xb: {  	s13 =	sshll.u32 s12, $0x1;
	s23 =	sadd.s32 $0x316E00, s26;
	s30 =	sadd.s32 $0x253800, s26  }
0xc: {  	s31 =	sadd.s32 $0x186C00, s26;
	s12 =	simm.s32 $0x5000;
	s8 =	smul.u32 $0x49800, s0  }
0xd: {  	_ =	strace $0x80000047;
	s4 =	ssub.s32 $0x2, s0;
	s0 =	sor.u32 s0, s13  }
0xe: {  	s13 =	simm.s32 $0x0;
	s3 =	sshrl.u32 s1, $0x3;
	s21 =	sadd.s32 s1, s5  }
0xf: {  	s22 =	sadd.s32 s1, s6;
	s15 =	sadd.s32 s1, s9;
	[dreg:$0xb] =	wrdreg s0  }
0x10: {  	s24 =	sadd.s32 s1, s7;
	s17 =	sadd.s32 s1, s10;
	[dreg:$0x10] =	wrdreg s15  }
0x11: {  	s0 =	smul.u32 $0xFA, s0;
	s2 =	sadd.s32 s1, s8;
	[dreg:$0x12] =	wrdreg s17  }
0x12: {  	s3 =	sadd.s32 s3, s26;
	s8 =	sshrl.u32 s4, $0x1;
	[dreg:$0xc] =	wrdreg s21  }
0x13: {  	s1 =	sadd.s32 s1, s11;
	s15 =	simm.s32 $0x6000;
	[dreg:$0xd] =	wrdreg s22  }
0x14: {  	s17 =	simm.s32 $0x7800;
	[dreg:$0xe] =	wrdreg s24;
	s2 =	sshrl.u32 s2, $0x3  }
0x15: {  	s4 =	ssub.s32 s4, s8;
	s14 =	sadd.s32 $0x24A200, s3;
	[dreg:$0x14] =	wrdreg s1  }
0x16: {  	s16 =	sadd.s32 $0x24D400, s3;
	s3 =	sadd.s32 $0x250600, s3;
	[dreg:$0xf] =	wrdreg s14  }
0x17: {  	s0 =	sadd.s32 s23, s0;
	s8 =	simm.s32 $0x7000;
	[dreg:$0x11] =	wrdreg s16  }
0x18: {  	s1 =	simm.s32 $0x2;
	s2 =	sadd.s32 s2, s26;
	[dreg:$0x13] =	wrdreg s3  }
0x19: {  	[dreg:$0x15] =	wrdreg s0;
	s25 =	smax.u32 s4, $0x1;
	s4 =	sadd.s32 $0xC3600, s26  }
0x1a: {  	s14 =	simm.s32 $0x5800;
	s18 =	sadd.s32 $0x3DA400, s2;
	[dreg:$0x19] =	wrdreg s25  }
0x1b: {  	s16 =	simm.s32 $0x6800;
	s19 =	sadd.s32 $0x3DD500, s2;
	[dreg:$0x16] =	wrdreg s18  }
0x1c: {  	s0 =	simm.s32 $0x1800;
	s20 =	sadd.s32 $0x3E0600, s2;
	[dreg:$0x17] =	wrdreg s19  }
0x1d: {  	s25 =	simm.s32 $0xE000;
	s2 =	simm.s32 $0x3;
	[dreg:$0x18] =	wrdreg s20  }
0x1e: {  	v0 =	vimm.f32 $0.0e+00;
	s18 =	simm.s32 $0x1000;
	s19 =	simm.s32 $0x7D0;
	s20 =	simm.s32 $0x800  }
.LBB2_1:
0x1f: {  	[dreg:$0x1a] =	wrdreg s13;
	s3 =	simm.s32 $0x40;
	s13 =	simm.s32 $0x0  }
.LBB2_2:
0x20: {  	p0 =	sne.s32 s3, $0x61C0;
	[tilespmem:s13+$0xE000] =	vst v0;
	s13 =	smov.u32 s3;
	s3 =	sadd.s32 $0x40, s3  }
.Ltmp0:
0x21: {  	(pc) =	sbr.rel @p0 .LBB2_2-.Ltmp0, $2  }
0x22: {  	_ =	sdelay $0x2  }
0x23: {  	s13 =	sshra.s32 s13, $0x2  }
0x24: {  	[tilespmem:s13+$0xE000] =	vst v0  }
0x25: {  	[spmem:s21] =	stream.linear.scatter [tilespmem:s25], [sflag:$0x4], $0x1880, $0x38;
	[tilespmem:$0x18B80] =	vst v63  }
0x26: {  	_ =	swait.ge [sflag:s28], $0x1880  }
0x27: {  	[sflag:s28] =	ssyncset.done $0x0  }
0x28: {  	[sflag:s28] =	ssyncadd.s32 $0xFFFFE780  }
0x29: {  	[spmem:s22] =	stream.linear.scatter [tilespmem:s25], [sflag:$0x4], $0x1880, $0x38;
	[tilespmem:$0x18B80] =	vst v63  }
0x2a: {  	_ =	swait.ge [sflag:s28], $0x1880  }
0x2b: {  	[sflag:s28] =	ssyncset.done $0x0  }
0x2c: {  	[sflag:s28] =	ssyncadd.s32 $0xFFFFE780  }
0x2d: {  	[spmem:s24] =	stream.linear.scatter [tilespmem:s25], [sflag:$0x4], $0x1880, $0x38;
	[tilespmem:$0x18B80] =	vst v63  }
0x2e: {  	_ =	swait.ge [sflag:s28], $0x1880  }
0x2f: {  	[sflag:s28] =	ssyncset.done $0x0  }
0x30: {  	s3 =	simm.s32 $0x0;
	s21 =	rddreg [dreg:$0xf];
	[sflag:s28] =	ssyncadd.s32 $0xFFFFE780  }
0x31: {  	[tilespmem:s25], [sflag:$0x4] =	stream.linear.gather [hbm4b:s21+s3], $0x1880, $0x38;
	[tilespmem:$0x18B80] =	vst v63  }
0x32: {  	_ =	swait.ge [sflag:s28], $0x1880  }
0x33: {  	[sflag:s28] =	ssyncset.done $0x0  }
0x34: {  	s22 =	rddreg [dreg:$0x10];
	[sflag:s28] =	ssyncadd.s32 $0xFFFFE780  }
0x35: {  	[spmem:s22] =	stream.linear.scatter [tilespmem:s25], [sflag:$0x4], $0x1880, $0x38;
	[tilespmem:$0x18B80] =	vst v63  }
0x36: {  	_ =	swait.ge [sflag:s28], $0x1880  }
0x37: {  	[sflag:s28] =	ssyncset.done $0x0  }
0x38: {  	s24 =	rddreg [dreg:$0x11];
	[sflag:s28] =	ssyncadd.s32 $0xFFFFE780  }
0x39: {  	[tilespmem:s25], [sflag:$0x4] =	stream.linear.gather [hbm4b:s24+s3], $0x1880, $0x38;
	[tilespmem:$0x18B80] =	vst v63  }
0x3a: {  	_ =	swait.ge [sflag:s28], $0x1880  }
0x3b: {  	[sflag:s28] =	ssyncset.done $0x0  }
0x3c: {  	s21 =	rddreg [dreg:$0x12];
	[sflag:s28] =	ssyncadd.s32 $0xFFFFE780  }
0x3d: {  	[spmem:s21] =	stream.linear.scatter [tilespmem:s25], [sflag:$0x4], $0x1880, $0x38;
	[tilespmem:$0x18B80] =	vst v63  }
0x3e: {  	_ =	swait.ge [sflag:s28], $0x1880  }
0x3f: {  	[sflag:s28] =	ssyncset.done $0x0  }
0x40: {  	s22 =	rddreg [dreg:$0x13];
	[sflag:s28] =	ssyncadd.s32 $0xFFFFE780  }
0x41: {  	[tilespmem:s25], [sflag:$0x4] =	stream.linear.gather [hbm4b:s22+s3], $0x1880, $0x38;
	[tilespmem:$0x18B80] =	vst v63  }
0x42: {  	_ =	swait.ge [sflag:s28], $0x1880  }
0x43: {  	[sflag:s28] =	ssyncset.done $0x0  }
0x44: {  	s24 =	rddreg [dreg:$0x14];
	[sflag:s28] =	ssyncadd.s32 $0xFFFFE780  }
0x45: {  	[spmem:s24] =	stream.linear.scatter [tilespmem:s25], [sflag:$0x4], $0x1880, $0x38;
	[tilespmem:$0x18B80] =	vst v63  }
0x46: {  	_ =	swait.ge [sflag:s28], $0x1880  }
0x47: {  	[sflag:s28] =	ssyncset.done $0x0  }
0x48: {  	[sflag:s28] =	ssyncadd.s32 $0xFFFFE780  }
0x49: {  	s13 =	simm.s32 $0x0;
	s3 =	simm.s32 $0x40;
	[bflag:$0x0] =	sbarrier.arrive $0xFFFF  }
.LBB2_4:
0x4a: {  	p0 =	sne.s32 s3, $0x1F00;
	[tilespmem:s13+$0xE000] =	vst v0;
	s13 =	smov.u32 s3;
	s3 =	sadd.s32 $0x40, s3  }
.Ltmp1:
0x4b: {  	(pc) =	sbr.rel @p0 .LBB2_4-.Ltmp1, $2  }
0x4c: {  	_ =	sdelay $0x2  }
0x4d: {  	s13 =	sshra.s32 s13, $0x2  }
0x4e: {  	[tilespmem:s13+$0xE000] =	vst v0;
	s3 =	simm.s32 $0x0;
	s24 =	rddreg [dreg:$0x15]  }
0x4f: {  	[tilespmem:s18], [sflag:$0x4] =	stream.linear.gather [hbm4b:s24+s3], $0x7D0, $0x38;
	[tilespmem:$0x18B80] =	vst v63  }
0x50: {  	_ =	swait.ge [sflag:s28], $0x7D0  }
0x51: {  	[sflag:s28] =	ssyncset.done $0x0  }
0x52: {  	[sflag:s28] =	ssyncadd.s32 $0xFFFFF830  }
0x53: {  	[spmem:s5] =	stream.indirect.scatter.add.f32 [tilespmem:s25], [sflag:$0x3], $0x1, s18, s19, $0xb8;
	[tilespmem:$0x18B80] =	vst v63  }
0x54: {  	_ = 	snop  }
0x55: {  	[spmem:s6] =	stream.indirect.scatter.add.f32 [tilespmem:s25], [sflag:$0x3], $0x1, s18, s19, $0xb8;
	[tilespmem:$0x18B80] =	vst v63  }
0x56: {  	_ = 	snop  }
0x57: {  	[spmem:s7] =	stream.indirect.scatter.add.f32 [tilespmem:s25], [sflag:$0x3], $0x1, s18, s19, $0xb8;
	[tilespmem:$0x18B80] =	vst v63  }
0x58: {  	_ = 	snop  }
0x59: {  	[spmem:s5] =	stream.indirect.scatter.add.f32 [tilespmem:s25], [sflag:$0x3], $0x1, s18, s19, $0xb8;
	[tilespmem:$0x18B80] =	vst v63  }
0x5a: {  	_ = 	snop  }
0x5b: {  	[spmem:s6] =	stream.indirect.scatter.add.f32 [tilespmem:s25], [sflag:$0x3], $0x1, s18, s19, $0xb8;
	[tilespmem:$0x18B80] =	vst v63  }
0x5c: {  	s13 =	simm.s32 $0x0  }
0x5d: {  	[spmem:s7] =	stream.indirect.scatter.add.f32 [tilespmem:s25], [sflag:$0x3], $0x1, s18, s19, $0xb8;
	[tilespmem:$0x18B80] =	vst v63  }
.LBB2_6:
0x5e: {  	s21 =	sshll.u32 s13, $0x6;
	s22 =	rddreg [dreg:$0xb]  }
0x5f: {  	s21 =	sor.u32 s22, s21  }
0x60: {  	s22 =	smul.u32 $0xFA, s21;
	_ =	sdelay $0x1  }
0x61: {  	s24 =	sadd.s32 s23, s22  }
0x62: {  	[tilespmem:s3], [sflag:$0x1] =	stream.linear.gather [hbm4b:s24+s3], $0x7D0, $0x38;
	[tilespmem:$0x18B80] =	vst v63  }
0x63: {  	s25 =	sadd.s32 s30, s22  }
0x64: {  	[tilespmem:s20], [sflag:$0x1] =	stream.linear.gather [hbm4b:s25+s3], $0x7D0, $0x38;
	[tilespmem:$0x18B80] =	vst v63  }
0x65: {  	s24 =	sadd.s32 s31, s22;
	s25 =	simm.s32 $0x2000  }
0x66: {  	[tilespmem:s25], [sflag:$0x1] =	stream.linear.gather [hbm4b:s24+s3], $0x7D0, $0x38;
	[tilespmem:$0x18B80] =	vst v63  }
0x67: {  	s24 =	sadd.s32 s4, s22;
	s25 =	simm.s32 $0x2800  }
0x68: {  	[tilespmem:s25], [sflag:$0x1] =	stream.linear.gather [hbm4b:s24+s3], $0x7D0, $0x38;
	[tilespmem:$0x18B80] =	vst v63  }
0x69: {  	s28 =	smov.u32 s26;
	s25 =	sadd.s32 s26, s22;
	s26 =	simm.s32 $0x3000  }
0x6a: {  	[tilespmem:s26], [sflag:$0x1] =	stream.linear.gather [hbm4b:s25+s3], $0x7D0, $0x38;
	[tilespmem:$0x18B80] =	vst v63  }
0x6b: {  	s25 =	rddreg [dreg:$0x1]  }
0x6c: {  	s26 =	simm.s32 $0x3800;
	s24 =	sadd.s32 s25, s22;
	s25 =	rddreg [dreg:$0x2]  }
0x6d: {  	[tilespmem:s26], [sflag:$0x1] =	stream.linear.gather [hbm4b:s24+s3], $0x7D0, $0x38;
	[tilespmem:$0x18B80] =	vst v63  }
0x6e: {  	s24 =	sadd.s32 s25, s22;
	s26 =	simm.s32 $0x4000;
	s25 =	rddreg [dreg:$0x3]  }
0x6f: {  	[tilespmem:s26], [sflag:$0x1] =	stream.linear.gather [hbm4b:s24+s3], $0x7D0, $0x38;
	[tilespmem:$0x18B80] =	vst v63  }
0x70: {  	s22 =	sadd.s32 s25, s22;
	s26 =	simm.s32 $0x4800  }
0x71: {  	[tilespmem:s26], [sflag:$0x1] =	stream.linear.gather [hbm4b:s22+s3], $0x7D0, $0x38;
	[tilespmem:$0x18B80] =	vst v63  }
0x72: {  	_ =	swait.ge [sflag:s29], $0x7D0  }
0x73: {  	[sflag:s29] =	ssyncset.done $0x0  }
0x74: {  	[sflag:s29] =	ssyncadd.s32 $0xFFFFF830  }
0x75: {  	_ =	swait.ge [sflag:s29], $0x7D0  }
0x76: {  	[sflag:s29] =	ssyncset.done $0x0  }
0x77: {  	[sflag:s29] =	ssyncadd.s32 $0xFFFFF830  }
0x78: {  	[tilespmem:s12], [sflag:$0x2] =	stream.indirect.gather [spmem:s9], $0x1, s3, s19, $0xb8;
	[tilespmem:$0x18B80] =	vst v63  }
0x79: {  	_ = 	snop  }
0x7a: {  	[tilespmem:s14], [sflag:$0x2] =	stream.indirect.gather [spmem:s10], $0x1, s3, s19, $0xb8;
	[tilespmem:$0x18B80] =	vst v63  }
0x7b: {  	_ = 	snop  }
0x7c: {  	[tilespmem:s15], [sflag:$0x2] =	stream.indirect.gather [spmem:s11], $0x1, s3, s19, $0xb8;
	[tilespmem:$0x18B80] =	vst v63  }
0x7d: {  	_ = 	snop  }
0x7e: {  	[tilespmem:s16], [sflag:$0x2] =	stream.indirect.gather [spmem:s9], $0x1, s20, s19, $0xb8;
	[tilespmem:$0x18B80] =	vst v63  }
0x7f: {  	_ = 	snop  }
0x80: {  	[tilespmem:s8], [sflag:$0x2] =	stream.indirect.gather [spmem:s10], $0x1, s20, s19, $0xb8;
	[tilespmem:$0x18B80] =	vst v63  }
0x81: {  	_ = 	snop  }
0x82: {  	[tilespmem:s17], [sflag:$0x2] =	stream.indirect.gather [spmem:s11], $0x1, s20, s19, $0xb8;
	[tilespmem:$0x18B80] =	vst v63  }
0x83: {  	_ =	swait.ge [sflag:s29], $0x7D0  }
0x84: {  	[sflag:s29] =	ssyncset.done $0x0  }
0x85: {  	[sflag:s29] =	ssyncadd.s32 $0xFFFFF830  }
0x86: {  	_ =	swait.ge [sflag:s29], $0x7D0  }
0x87: {  	[sflag:s29] =	ssyncset.done $0x0  }
0x88: {  	[sflag:s29] =	ssyncadd.s32 $0xFFFFF830  }
0x89: {  	_ =	swait.ge [sflag:s29], $0x7D0  }
0x8a: {  	[sflag:s29] =	ssyncset.done $0x0  }
0x8b: {  	[sflag:s29] =	ssyncadd.s32 $0xFFFFF830  }
0x8c: {  	_ =	swait.ge [sflag:s29], $0x7D0  }
0x8d: {  	[sflag:s29] =	ssyncset.done $0x0  }
0x8e: {  	[sflag:s29] =	ssyncadd.s32 $0xFFFFF830  }
0x8f: {  	_ =	swait.ge [sflag:s29], $0x7D0  }
0x90: {  	[sflag:s29] =	ssyncset.done $0x0  }
0x91: {  	[sflag:s29] =	ssyncadd.s32 $0xFFFFF830  }
0x92: {  	_ =	swait.ge [sflag:s29], $0x7D0  }
0x93: {  	[sflag:s29] =	ssyncset.done $0x0  }
0x94: {  	[sflag:s29] =	ssyncadd.s32 $0xFFFFF830  }
0x95: {  	_ =	swait.ge [sflag:s1], $0x7D0  }
0x96: {  	[sflag:s1] =	ssyncset.done $0x0  }
0x97: {  	[sflag:s1] =	ssyncadd.s32 $0xFFFFF830  }
0x98: {  	_ =	swait.ge [sflag:s1], $0x7D0  }
0x99: {  	[sflag:s1] =	ssyncset.done $0x0  }
0x9a: {  	[sflag:s1] =	ssyncadd.s32 $0xFFFFF830  }
0x9b: {  	_ =	swait.ge [sflag:s1], $0x7D0  }
0x9c: {  	[sflag:s1] =	ssyncset.done $0x0  }
0x9d: {  	[sflag:s1] =	ssyncadd.s32 $0xFFFFF830  }
0x9e: {  	_ =	swait.ge [sflag:s1], $0x7D0  }
0x9f: {  	[sflag:s1] =	ssyncset.done $0x0  }
0xa0: {  	[sflag:s1] =	ssyncadd.s32 $0xFFFFF830  }
0xa1: {  	_ =	swait.ge [sflag:s1], $0x7D0  }
0xa2: {  	[sflag:s1] =	ssyncset.done $0x0  }
0xa3: {  	[sflag:s1] =	ssyncadd.s32 $0xFFFFF830  }
0xa4: {  	_ =	swait.ge [sflag:s1], $0x7D0  }
0xa5: {  	[sflag:s1] =	ssyncset.done $0x0  }
0xa6: {  	s24 =	simm.s32 $0x0;
	[sflag:s1] =	ssyncadd.s32 $0xFFFFF830  }
0xa7: {  	v1 =	vld [tilespmem:s24+$0x7800]  }
0xa8: {  	v2 =	vld [tilespmem:s24+$0x6000]  }
0xa9: {  	v3 =	vld [tilespmem:s24+$0x6800]  }
0xaa: {  	v4 =	vld [tilespmem:s24+$0x5000]  }
0xab: {  	v5 =	vld [tilespmem:s24+$0x7000]  }
0xac: {  	v6 =	vld [tilespmem:s24+$0x5800]  }
0xad: {  	v7 =	vld [tilespmem:s24+$0x4800]  }
0xae: {  	v8 =	vld [tilespmem:s24+$0x2000]  }
0xaf: {  	v9 =	vld [tilespmem:s24+$0x2800]  }
0xb0: {  	v10 =	vld [tilespmem:s24+$0x3800]  }
0xb1: {  	v11 =	vld [tilespmem:s24+$0x3000]  }
0xb2: {  	s22 =	simm.s32 $0x10;
	v12 =	vld [tilespmem:s24+$0x4000];
	v3 =	vsub.f32 v3, v4;
	v4 =	vsub.f32 v5, v6;
	(erf) = vrcp.f32 v7  }
0xb3: {  	v13 =	vld [tilespmem:s22+$0x6000]  }
0xb4: {  	v14 =	vld [tilespmem:s22+$0x5000];
	v1 =	vsub.f32 v1, v2;
	v2 =	vmul.f32 v8, v3;
	v3 =	vmul.f32 v9, v4  }
0xb5: {  	v15 =	vld [tilespmem:s22+$0x7000]  }
0xb6: {  	v16 =	vld [tilespmem:s22+$0x5800];
	v1 =	vmul.f32 v11, v1;
	v2 =	vadd.f32 v3, v2  }
0xb7: {  	v7 =	vld [tilespmem:s22+$0x7800]  }
0xb8: {  	v6 =	vld [tilespmem:s22+$0x6800];
	v3 =	vmul.f32 v12, v10;
	v2 =	vadd.f32 v1, v2  }
0xb9: {  	v12 =	vld [tilespmem:s22+$0x4800]  }
0xba: {  	v1 =	vld [tilespmem:s22+$0x2000];
	v3 =	vmul.f32 v3, v2  }
0xbb: {  	v2 =	vld [tilespmem:s22+$0x2800];
	v4 =	vpop (erf)  }
0xbc: {  	v17 =	vld [tilespmem:s22+$0x3800];
	v10 =	vmul.f32 v4, v3  }
0xbd: {  	v5 =	vld [tilespmem:s22+$0x3000];
	v15 =	vsub.f32 v15, v16  }
0xbe: {  	s25 =	simm.s32 $0x20;
	v18 =	vld [tilespmem:s22+$0x4000];
	v14 =	vsub.f32 v6, v14;
	(erf) = vrcp.f32 v12;
	v11 =	vmul.f32 v10, v11  }
0xbf: {  	v13 =	vsub.f32 v7, v13;
	v3 =	vld [tilespmem:s25+$0x7800];
	v19 =	vmul.f32 v10, v8;
	v8 =	vmul.f32 v10, v9  }
0xc0: {  	v4 =	vld [tilespmem:s25+$0x6000];
	v10 =	vmul.f32 v1, v14;
	v14 =	vmul.f32 v2, v15;
	[tilespmem:s24+$0x9000] =	vst v11;
	v11 =	vsub.f32 $0.0e+00, v11  }
0xc1: {  	v15 =	vsub.f32 $0.0e+00, v19;
	v6 =	vld [tilespmem:s25+$0x6800];
	[tilespmem:s24+$0x8000] =	vst v19  }
0xc2: {  	v13 =	vmul.f32 v5, v13;
	v7 =	vld [tilespmem:s25+$0x5000];
	[tilespmem:s24+$0xA800] =	vst v11;
	v11 =	vadd.f32 v14, v10;
	v14 =	vsub.f32 $0.0e+00, v8  }
0xc3: {  	v9 =	vld [tilespmem:s25+$0x7000];
	[tilespmem:s24+$0x9800] =	vst v15  }
0xc4: {  	s26 =	simm.s32 $0xC0;
	v12 =	vmul.f32 v18, v17;
	v10 =	vld [tilespmem:s25+$0x5800];
	v11 =	vadd.f32 v13, v11;
	[tilespmem:s24+$0xA000] =	vst v14  }
.LBB2_7:
0xc5: {  	p0 =	sne.s32 s26, $0x1F00;
	v13 =	vld [tilespmem:s25+$0x4800];
	[tilespmem:s24+$0x8800] =	vst v8;
	s24 =	smov.u32 s22;
	s22 =	smov.u32 s25  }
0xc6: {  	v14 =	vld [tilespmem:s22+$0x2000];
	v8 =	vmul.f32 v12, v11  }
0xc7: {  	v11 =	vld [tilespmem:s22+$0x2800];
	v12 =	vpop (erf)  }
0xc8: {  	v15 =	vld [tilespmem:s22+$0x3800];
	v8 =	vmul.f32 v12, v8  }
0xc9: {  	v6 =	vsub.f32 v6, v7;
	v12 =	vld [tilespmem:s22+$0x3000]  }
0xca: {  	s25 =	sshra.s32 s26, $0x2;
	v7 =	vsub.f32 v9, v10;
	v16 =	vld [tilespmem:s22+$0x4000];
	(erf) = vrcp.f32 v13;
	v5 =	vmul.f32 v8, v5  }
0xcb: {  	v9 =	vsub.f32 v3, v4;
	v10 =	vmul.f32 v8, v1;
	v8 =	vmul.f32 v8, v2;
	v3 =	vld [tilespmem:s25+$0x7800];
	v1 =	vmovc v14  }
.Ltmp2:
0xcc: {  	v4 =	vld [tilespmem:s25+$0x6000];
	v13 =	vmul.f32 v1, v6;
	v14 =	vmul.f32 v11, v7;
	[tilespmem:s24+$0x9000] =	vst v5;
	v18 =	vsub.f32 $0.0e+00, v5;
	v2 =	vmovc v11;
	(pc) =	sbr.rel @p0 .LBB2_7-.Ltmp2, $4  }
0xcd: {  	v17 =	vsub.f32 $0.0e+00, v8;
	v6 =	vld [tilespmem:s25+$0x6800];
	[tilespmem:s24+$0x8000] =	vst v10;
	v10 =	vsub.f32 $0.0e+00, v10  }
0xce: {  	v7 =	vld [tilespmem:s25+$0x5000];
	v11 =	vadd.f32 v14, v13;
	v13 =	vmul.f32 v12, v9;
	[tilespmem:s24+$0xA800] =	vst v18;
	v5 =	vmov v12  }
0xcf: {  	v9 =	vld [tilespmem:s25+$0x7000];
	[tilespmem:s24+$0x9800] =	vst v10  }
0xd0: {  	s26 =	sadd.s32 $0x40, s26;
	v12 =	vmul.f32 v16, v15;
	v10 =	vld [tilespmem:s25+$0x5800];
	v11 =	vadd.f32 v13, v11;
	[tilespmem:s24+$0xA000] =	vst v17  }
0xd1: {  	v13 =	vld [tilespmem:s25+$0x4800];
	[tilespmem:s24+$0x8800] =	vst v8  }
0xd2: {  	v8 =	vld [tilespmem:s25+$0x2000]  }
0xd3: {  	v14 =	vld [tilespmem:s25+$0x2800];
	_ =	sdelay $0x1  }
0xd4: {  	v15 =	vld [tilespmem:s25+$0x3000]  }
0xd5: {  	v16 =	vld [tilespmem:s25+$0x3800];
	v6 =	vsub.f32 v6, v7;
	v7 =	vsub.f32 v9, v10  }
0xd6: {  	v10 =	vld [tilespmem:s25+$0x4000];
	(erf) = vrcp.f32 v13  }
0xd7: {  	v3 =	vsub.f32 v3, v4;
	v4 =	vmul.f32 v8, v6;
	v6 =	vmul.f32 v14, v7  }
0xd8: {  	v9 =	vmul.f32 v12, v11  }
0xd9: {  	v3 =	vmul.f32 v15, v3;
	v7 =	vpop (erf);
	v4 =	vadd.f32 v6, v4  }
0xda: {  	v7 =	vmul.f32 v7, v9  }
0xdb: {  	v3 =	vadd.f32 v3, v4;
	v4 =	vmul.f32 v10, v16  }
0xdc: {  	v5 =	vmul.f32 v7, v5  }
0xdd: {  	v1 =	vmul.f32 v7, v1  }
0xde: {  	v2 =	vmul.f32 v7, v2;
	v3 =	vmul.f32 v4, v3;
	[tilespmem:s22+$0x9000] =	vst v5  }
0xdf: {  	v5 =	vsub.f32 $0.0e+00, v5;
	[tilespmem:s22+$0x8000] =	vst v1;
	v4 =	vpop (erf)  }
0xe0: {  	v1 =	vsub.f32 $0.0e+00, v1;
	[tilespmem:s22+$0x8800] =	vst v2;
	v3 =	vmul.f32 v4, v3  }
0xe1: {  	v6 =	vsub.f32 $0.0e+00, v2;
	[tilespmem:s22+$0xA800] =	vst v5  }
0xe2: {  	[tilespmem:s22+$0x9800] =	vst v1;
	v1 =	vmul.f32 v3, v15  }
0xe3: {  	[tilespmem:s22+$0xA000] =	vst v6;
	v2 =	vmul.f32 v3, v8  }
0xe4: {  	v3 =	vmul.f32 v3, v14;
	[tilespmem:s25+$0x9000] =	vst v1  }
0xe5: {  	v1 =	vsub.f32 $0.0e+00, v1;
	[tilespmem:s25+$0x8000] =	vst v2  }
0xe6: {  	v2 =	vsub.f32 $0.0e+00, v2;
	[tilespmem:s25+$0x8800] =	vst v3  }
0xe7: {  	v4 =	vsub.f32 $0.0e+00, v3;
	[tilespmem:s25+$0xA800] =	vst v1  }
0xe8: {  	[tilespmem:s25+$0x9800] =	vst v2  }
0xe9: {  	[tilespmem:s25+$0xA000] =	vst v4  }
0xea: {  	_ =	swait.ge [sflag:s2], $0x7D0  }
0xeb: {  	[sflag:s2] =	ssyncset.done $0x0  }
0xec: {  	[sflag:s2] =	ssyncadd.s32 $0xFFFFF830  }
0xed: {  	_ =	swait.ge [sflag:s2], $0x7D0  }
0xee: {  	[sflag:s2] =	ssyncset.done $0x0  }
0xef: {  	[sflag:s2] =	ssyncadd.s32 $0xFFFFF830  }
0xf0: {  	_ =	swait.ge [sflag:s2], $0x7D0  }
0xf1: {  	[sflag:s2] =	ssyncset.done $0x0  }
0xf2: {  	[sflag:s2] =	ssyncadd.s32 $0xFFFFF830  }
0xf3: {  	_ =	swait.ge [sflag:s2], $0x7D0  }
0xf4: {  	[sflag:s2] =	ssyncset.done $0x0  }
0xf5: {  	[sflag:s2] =	ssyncadd.s32 $0xFFFFF830  }
0xf6: {  	_ =	swait.ge [sflag:s2], $0x7D0  }
0xf7: {  	[sflag:s2] =	ssyncset.done $0x0  }
0xf8: {  	[sflag:s2] =	ssyncadd.s32 $0xFFFFF830  }
0xf9: {  	_ =	swait.ge [sflag:s2], $0x7D0  }
0xfa: {  	[sflag:s2] =	ssyncset.done $0x0  }
0xfb: {  	s22 =	simm.s32 $0x0;
	s25 =	simm.s32 $0x8000;
	[sflag:s2] =	ssyncadd.s32 $0xFFFFF830  }
0xfc: {  	[spmem:s5] =	stream.indirect.scatter.add.f32 [tilespmem:s25], [sflag:$0x3], $0x1, s22, s19, $0xb8;
	[tilespmem:$0x18B80] =	vst v63  }
0xfd: {  	s26 =	simm.s32 $0x8800  }
0xfe: {  	[spmem:s6] =	stream.indirect.scatter.add.f32 [tilespmem:s26], [sflag:$0x3], $0x1, s22, s19, $0xb8;
	[tilespmem:$0x18B80] =	vst v63  }
0xff: {  	s25 =	simm.s32 $0x9000  }
0x100: {  	[spmem:s7] =	stream.indirect.scatter.add.f32 [tilespmem:s25], [sflag:$0x3], $0x1, s22, s19, $0xb8;
	[tilespmem:$0x18B80] =	vst v63  }
0x101: {  	s21 =	smul.u32 $0x7D0, s21;
	s26 =	simm.s32 $0x9800  }
0x102: {  	[spmem:s5] =	stream.indirect.scatter.add.f32 [tilespmem:s26], [sflag:$0x3], $0x1, s20, s19, $0xb8;
	[tilespmem:$0x18B80] =	vst v63  }
0x103: {  	s21 =	sshrl.u32 s21, $0x3;
	s25 =	simm.s32 $0xA000  }
0x104: {  	[spmem:s6] =	stream.indirect.scatter.add.f32 [tilespmem:s25], [sflag:$0x3], $0x1, s20, s19, $0xb8;
	[tilespmem:$0x18B80] =	vst v63  }
0x105: {  	s21 =	sadd.s32 $0x1F40, s21;
	s26 =	simm.s32 $0xA800  }
0x106: {  	[spmem:s7] =	stream.indirect.scatter.add.f32 [tilespmem:s26], [sflag:$0x3], $0x1, s20, s19, $0xb8;
	[tilespmem:$0x18B80] =	vst v63  }
0x107: {  	s25 =	sadd.s32 s23, s21  }
0x108: {  	[tilespmem:s18], [sflag:$0x1] =	stream.linear.gather [hbm4b:s25+s22], $0x7D0, $0x38;
	[tilespmem:$0x18B80] =	vst v63  }
0x109: {  	s26 =	sadd.s32 s30, s21  }
0x10a: {  	[tilespmem:s0], [sflag:$0x1] =	stream.linear.gather [hbm4b:s26+s22], $0x7D0, $0x38;
	[tilespmem:$0x18B80] =	vst v63  }
0x10b: {  	s25 =	sadd.s32 s31, s21;
	s26 =	simm.s32 $0x2000  }
0x10c: {  	[tilespmem:s26], [sflag:$0x1] =	stream.linear.gather [hbm4b:s25+s22], $0x7D0, $0x38;
	[tilespmem:$0x18B80] =	vst v63  }
0x10d: {  	s25 =	sadd.s32 s4, s21;
	s26 =	simm.s32 $0x2800  }
0x10e: {  	[tilespmem:s26], [sflag:$0x1] =	stream.linear.gather [hbm4b:s25+s22], $0x7D0, $0x38;
	[tilespmem:$0x18B80] =	vst v63  }
0x10f: {  	s26 =	smov.u32 s28;
	s25 =	sadd.s32 s28, s21;
	s28 =	simm.s32 $0x3000  }
0x110: {  	[tilespmem:s28], [sflag:$0x1] =	stream.linear.gather [hbm4b:s25+s22], $0x7D0, $0x38;
	[tilespmem:$0x18B80] =	vst v63  }
0x111: {  	s25 =	rddreg [dreg:$0x1]  }
0x112: {  	s28 =	simm.s32 $0x3800;
	s24 =	sadd.s32 s25, s21;
	s25 =	rddreg [dreg:$0x2]  }
0x113: {  	[tilespmem:s28], [sflag:$0x1] =	stream.linear.gather [hbm4b:s24+s22], $0x7D0, $0x38;
	[tilespmem:$0x18B80] =	vst v63  }
0x114: {  	s24 =	sadd.s32 s25, s21;
	s28 =	simm.s32 $0x4000;
	s25 =	rddreg [dreg:$0x3]  }
0x115: {  	[tilespmem:s28], [sflag:$0x1] =	stream.linear.gather [hbm4b:s24+s22], $0x7D0, $0x38;
	[tilespmem:$0x18B80] =	vst v63  }
0x116: {  	s21 =	sadd.s32 s25, s21;
	s28 =	simm.s32 $0x4800  }
0x117: {  	[tilespmem:s28], [sflag:$0x1] =	stream.linear.gather [hbm4b:s21+s22], $0x7D0, $0x38;
	[tilespmem:$0x18B80] =	vst v63  }
0x118: {  	_ =	swait.ge [sflag:s29], $0x7D0  }
0x119: {  	[sflag:s29] =	ssyncset.done $0x0  }
0x11a: {  	[sflag:s29] =	ssyncadd.s32 $0xFFFFF830  }
0x11b: {  	_ =	swait.ge [sflag:s29], $0x7D0  }
0x11c: {  	[sflag:s29] =	ssyncset.done $0x0  }
0x11d: {  	[sflag:s29] =	ssyncadd.s32 $0xFFFFF830  }
0x11e: {  	[tilespmem:s12], [sflag:$0x2] =	stream.indirect.gather [spmem:s9], $0x1, s18, s19, $0xb8;
	[tilespmem:$0x18B80] =	vst v63  }
0x11f: {  	_ = 	snop  }
0x120: {  	[tilespmem:s14], [sflag:$0x2] =	stream.indirect.gather [spmem:s10], $0x1, s18, s19, $0xb8;
	[tilespmem:$0x18B80] =	vst v63  }
0x121: {  	_ = 	snop  }
0x122: {  	[tilespmem:s15], [sflag:$0x2] =	stream.indirect.gather [spmem:s11], $0x1, s18, s19, $0xb8;
	[tilespmem:$0x18B80] =	vst v63  }
0x123: {  	_ = 	snop  }
0x124: {  	[tilespmem:s16], [sflag:$0x2] =	stream.indirect.gather [spmem:s9], $0x1, s0, s19, $0xb8;
	[tilespmem:$0x18B80] =	vst v63  }
0x125: {  	_ = 	snop  }
0x126: {  	[tilespmem:s8], [sflag:$0x2] =	stream.indirect.gather [spmem:s10], $0x1, s0, s19, $0xb8;
	[tilespmem:$0x18B80] =	vst v63  }
0x127: {  	_ = 	snop  }
0x128: {  	[tilespmem:s17], [sflag:$0x2] =	stream.indirect.gather [spmem:s11], $0x1, s0, s19, $0xb8;
	[tilespmem:$0x18B80] =	vst v63  }
0x129: {  	_ =	swait.ge [sflag:s29], $0x7D0  }
0x12a: {  	[sflag:s29] =	ssyncset.done $0x0  }
0x12b: {  	[sflag:s29] =	ssyncadd.s32 $0xFFFFF830  }
0x12c: {  	_ =	swait.ge [sflag:s29], $0x7D0  }
0x12d: {  	[sflag:s29] =	ssyncset.done $0x0  }
0x12e: {  	[sflag:s29] =	ssyncadd.s32 $0xFFFFF830  }
0x12f: {  	_ =	swait.ge [sflag:s29], $0x7D0  }
0x130: {  	[sflag:s29] =	ssyncset.done $0x0  }
0x131: {  	[sflag:s29] =	ssyncadd.s32 $0xFFFFF830  }
0x132: {  	_ =	swait.ge [sflag:s29], $0x7D0  }
0x133: {  	[sflag:s29] =	ssyncset.done $0x0  }
0x134: {  	[sflag:s29] =	ssyncadd.s32 $0xFFFFF830  }
0x135: {  	_ =	swait.ge [sflag:s29], $0x7D0  }
0x136: {  	[sflag:s29] =	ssyncset.done $0x0  }
0x137: {  	[sflag:s29] =	ssyncadd.s32 $0xFFFFF830  }
0x138: {  	_ =	swait.ge [sflag:s29], $0x7D0  }
0x139: {  	[sflag:s29] =	ssyncset.done $0x0  }
0x13a: {  	[sflag:s29] =	ssyncadd.s32 $0xFFFFF830  }
0x13b: {  	_ =	swait.ge [sflag:s1], $0x7D0  }
0x13c: {  	[sflag:s1] =	ssyncset.done $0x0  }
0x13d: {  	[sflag:s1] =	ssyncadd.s32 $0xFFFFF830  }
0x13e: {  	_ =	swait.ge [sflag:s1], $0x7D0  }
0x13f: {  	[sflag:s1] =	ssyncset.done $0x0  }
0x140: {  	[sflag:s1] =	ssyncadd.s32 $0xFFFFF830  }
0x141: {  	_ =	swait.ge [sflag:s1], $0x7D0  }
0x142: {  	[sflag:s1] =	ssyncset.done $0x0  }
0x143: {  	[sflag:s1] =	ssyncadd.s32 $0xFFFFF830  }
0x144: {  	_ =	swait.ge [sflag:s1], $0x7D0  }
0x145: {  	[sflag:s1] =	ssyncset.done $0x0  }
0x146: {  	[sflag:s1] =	ssyncadd.s32 $0xFFFFF830  }
0x147: {  	_ =	swait.ge [sflag:s1], $0x7D0  }
0x148: {  	[sflag:s1] =	ssyncset.done $0x0  }
0x149: {  	[sflag:s1] =	ssyncadd.s32 $0xFFFFF830  }
0x14a: {  	_ =	swait.ge [sflag:s1], $0x7D0  }
0x14b: {  	[sflag:s1] =	ssyncset.done $0x0  }
0x14c: {  	s22 =	simm.s32 $0x0;
	[sflag:s1] =	ssyncadd.s32 $0xFFFFF830  }
0x14d: {  	v1 =	vld [tilespmem:s22+$0x7800]  }
0x14e: {  	v2 =	vld [tilespmem:s22+$0x6000]  }
0x14f: {  	v3 =	vld [tilespmem:s22+$0x6800]  }
0x150: {  	v4 =	vld [tilespmem:s22+$0x5000]  }
0x151: {  	v5 =	vld [tilespmem:s22+$0x7000]  }
0x152: {  	v6 =	vld [tilespmem:s22+$0x5800]  }
0x153: {  	v7 =	vld [tilespmem:s22+$0x4800]  }
0x154: {  	v8 =	vld [tilespmem:s22+$0x2000]  }
0x155: {  	v9 =	vld [tilespmem:s22+$0x2800]  }
0x156: {  	v10 =	vld [tilespmem:s22+$0x3800]  }
0x157: {  	v11 =	vld [tilespmem:s22+$0x3000]  }
0x158: {  	s21 =	simm.s32 $0x10;
	v12 =	vld [tilespmem:s22+$0x4000];
	v3 =	vsub.f32 v3, v4;
	v4 =	vsub.f32 v5, v6;
	(erf) = vrcp.f32 v7  }
0x159: {  	v13 =	vld [tilespmem:s21+$0x6000]  }
0x15a: {  	v14 =	vld [tilespmem:s21+$0x5000];
	v1 =	vsub.f32 v1, v2;
	v2 =	vmul.f32 v8, v3;
	v3 =	vmul.f32 v9, v4  }
0x15b: {  	v15 =	vld [tilespmem:s21+$0x7000]  }
0x15c: {  	v63 =	vld [tilespmem:s21+$0x5800];
	v1 =	vmul.f32 v11, v1;
	v2 =	vadd.f32 v3, v2  }
0x15d: {  	v7 =	vld [tilespmem:s21+$0x7800]  }
0x15e: {  	v6 =	vld [tilespmem:s21+$0x6800];
	v3 =	vmul.f32 v12, v10;
	v2 =	vadd.f32 v1, v2  }
0x15f: {  	v12 =	vld [tilespmem:s21+$0x4800]  }
0x160: {  	v1 =	vld [tilespmem:s21+$0x2000];
	v3 =	vmul.f32 v3, v2  }
0x161: {  	v2 =	vld [tilespmem:s21+$0x2800];
	v4 =	vpop (erf)  }
0x162: {  	v17 =	vld [tilespmem:s21+$0x3800];
	v10 =	vmul.f32 v4, v3  }
0x163: {  	v5 =	vld [tilespmem:s21+$0x3000];
	v15 =	vsub.f32 v15, v63  }
0x164: {  	s24 =	simm.s32 $0x20;
	v18 =	vld [tilespmem:s21+$0x4000];
	v14 =	vsub.f32 v6, v14;
	(erf) = vrcp.f32 v12;
	v11 =	vmul.f32 v10, v11  }
0x165: {  	v13 =	vsub.f32 v7, v13;
	v3 =	vld [tilespmem:s24+$0x7800];
	v19 =	vmul.f32 v10, v8;
	v8 =	vmul.f32 v10, v9  }
0x166: {  	v4 =	vld [tilespmem:s24+$0x6000];
	v10 =	vmul.f32 v1, v14;
	v14 =	vmul.f32 v2, v15;
	[tilespmem:s22+$0xC000] =	vst v11;
	v11 =	vsub.f32 $0.0e+00, v11  }
0x167: {  	v15 =	vsub.f32 $0.0e+00, v19;
	v6 =	vld [tilespmem:s24+$0x6800];
	[tilespmem:s22+$0xB000] =	vst v19  }
0x168: {  	v13 =	vmul.f32 v5, v13;
	v7 =	vld [tilespmem:s24+$0x5000];
	[tilespmem:s22+$0xD800] =	vst v11;
	v11 =	vadd.f32 v14, v10;
	v14 =	vsub.f32 $0.0e+00, v8  }
0x169: {  	v9 =	vld [tilespmem:s24+$0x7000];
	[tilespmem:s22+$0xC800] =	vst v15  }
0x16a: {  	s25 =	simm.s32 $0xC0;
	v12 =	vmul.f32 v18, v17;
	v10 =	vld [tilespmem:s24+$0x5800];
	v11 =	vadd.f32 v13, v11;
	[tilespmem:s22+$0xD000] =	vst v14  }
.LBB2_9:
0x16b: {  	p0 =	sne.s32 s25, $0x1F00;
	v13 =	vld [tilespmem:s24+$0x4800];
	[tilespmem:s22+$0xB800] =	vst v8;
	s22 =	smov.u32 s21;
	s21 =	smov.u32 s24  }
0x16c: {  	v14 =	vld [tilespmem:s21+$0x2000];
	v8 =	vmul.f32 v12, v11  }
0x16d: {  	v11 =	vld [tilespmem:s21+$0x2800];
	v12 =	vpop (erf)  }
0x16e: {  	v15 =	vld [tilespmem:s21+$0x3800];
	v8 =	vmul.f32 v12, v8  }
0x16f: {  	v6 =	vsub.f32 v6, v7;
	v12 =	vld [tilespmem:s21+$0x3000]  }
0x170: {  	s24 =	sshra.s32 s25, $0x2;
	v7 =	vsub.f32 v9, v10;
	v16 =	vld [tilespmem:s21+$0x4000];
	(erf) = vrcp.f32 v13;
	v5 =	vmul.f32 v8, v5  }
0x171: {  	v9 =	vsub.f32 v3, v4;
	v10 =	vmul.f32 v8, v1;
	v8 =	vmul.f32 v8, v2;
	v3 =	vld [tilespmem:s24+$0x7800];
	v1 =	vmovc v14  }
.Ltmp3:
0x172: {  	v4 =	vld [tilespmem:s24+$0x6000];
	v13 =	vmul.f32 v1, v6;
	v14 =	vmul.f32 v11, v7;
	[tilespmem:s22+$0xC000] =	vst v5;
	v18 =	vsub.f32 $0.0e+00, v5;
	v2 =	vmovc v11;
	(pc) =	sbr.rel @p0 .LBB2_9-.Ltmp3, $4  }
0x173: {  	v17 =	vsub.f32 $0.0e+00, v8;
	v6 =	vld [tilespmem:s24+$0x6800];
	[tilespmem:s22+$0xB000] =	vst v10;
	v10 =	vsub.f32 $0.0e+00, v10  }
0x174: {  	v7 =	vld [tilespmem:s24+$0x5000];
	v11 =	vadd.f32 v14, v13;
	v13 =	vmul.f32 v12, v9;
	[tilespmem:s22+$0xD800] =	vst v18;
	v5 =	vmov v12  }
0x175: {  	v9 =	vld [tilespmem:s24+$0x7000];
	[tilespmem:s22+$0xC800] =	vst v10  }
0x176: {  	s25 =	sadd.s32 $0x40, s25;
	v12 =	vmul.f32 v16, v15;
	v10 =	vld [tilespmem:s24+$0x5800];
	v11 =	vadd.f32 v13, v11;
	[tilespmem:s22+$0xD000] =	vst v17  }
0x177: {  	v13 =	vld [tilespmem:s24+$0x4800];
	[tilespmem:s22+$0xB800] =	vst v8  }
0x178: {  	v8 =	vld [tilespmem:s24+$0x2000]  }
0x179: {  	v14 =	vld [tilespmem:s24+$0x2800];
	_ =	sdelay $0x1  }
0x17a: {  	v15 =	vld [tilespmem:s24+$0x3000]  }
0x17b: {  	v54 =	vld [tilespmem:s24+$0x3800];
	v6 =	vsub.f32 v6, v7;
	v9 =	vsub.f32 v9, v10;
	(erf) = vrcp.f32 v13  }
0x17c: {  	v55 =	vmul.f32 v12, v11;
	v56 =	vld [tilespmem:s24+$0x4000]  }
0x17d: {  	v3 =	vsub.f32 v3, v4;
	v57 =	vmul.f32 v8, v6;
	v58 =	vmul.f32 v14, v9  }
0x17e: {  	v59 =	vpop (erf)  }
0x17f: {  	v9 =	vmul.f32 v59, v55;
	v3 =	vmul.f32 v15, v3;
	v4 =	vadd.f32 v58, v57;
	_ =	sdelay $0x1  }
0x180: {  	v60 =	vmul.f32 v56, v54;
	v5 =	vmul.f32 v9, v5;
	v3 =	vadd.f32 v3, v4  }
0x181: {  	v1 =	vmul.f32 v9, v1  }
0x182: {  	v2 =	vmul.f32 v9, v2;
	[tilespmem:s21+$0xC000] =	vst v5;
	v3 =	vmul.f32 v60, v3  }
0x183: {  	v5 =	vsub.f32 $0.0e+00, v5;
	[tilespmem:s21+$0xB000] =	vst v1;
	v61 =	vpop (erf)  }
0x184: {  	v1 =	vsub.f32 $0.0e+00, v1;
	[tilespmem:s21+$0xB800] =	vst v2;
	v3 =	vmul.f32 v61, v3  }
0x185: {  	v62 =	vsub.f32 $0.0e+00, v2;
	[tilespmem:s21+$0xD800] =	vst v5  }
0x186: {  	[tilespmem:s21+$0xC800] =	vst v1;
	v1 =	vmul.f32 v3, v15  }
0x187: {  	[tilespmem:s21+$0xD000] =	vst v62;
	v2 =	vmul.f32 v3, v8  }
0x188: {  	v3 =	vmul.f32 v3, v14;
	[tilespmem:s24+$0xC000] =	vst v1  }
0x189: {  	v1 =	vsub.f32 $0.0e+00, v1;
	[tilespmem:s24+$0xB000] =	vst v2  }
0x18a: {  	v2 =	vsub.f32 $0.0e+00, v2;
	[tilespmem:s24+$0xB800] =	vst v3  }
0x18b: {  	v63 =	vsub.f32 $0.0e+00, v3;
	[tilespmem:s24+$0xD800] =	vst v1  }
0x18c: {  	[tilespmem:s24+$0xC800] =	vst v2  }
0x18d: {  	[tilespmem:s24+$0xD000] =	vst v63  }
0x18e: {  	_ =	swait.ge [sflag:s2], $0x7D0  }
0x18f: {  	[sflag:s2] =	ssyncset.done $0x0  }
0x190: {  	[sflag:s2] =	ssyncadd.s32 $0xFFFFF830  }
0x191: {  	_ =	swait.ge [sflag:s2], $0x7D0  }
0x192: {  	[sflag:s2] =	ssyncset.done $0x0  }
0x193: {  	[sflag:s2] =	ssyncadd.s32 $0xFFFFF830  }
0x194: {  	_ =	swait.ge [sflag:s2], $0x7D0  }
0x195: {  	[sflag:s2] =	ssyncset.done $0x0  }
0x196: {  	[sflag:s2] =	ssyncadd.s32 $0xFFFFF830  }
0x197: {  	_ =	swait.ge [sflag:s2], $0x7D0  }
0x198: {  	[sflag:s2] =	ssyncset.done $0x0  }
0x199: {  	[sflag:s2] =	ssyncadd.s32 $0xFFFFF830  }
0x19a: {  	_ =	swait.ge [sflag:s2], $0x7D0  }
0x19b: {  	[sflag:s2] =	ssyncset.done $0x0  }
0x19c: {  	[sflag:s2] =	ssyncadd.s32 $0xFFFFF830  }
0x19d: {  	_ =	swait.ge [sflag:s2], $0x7D0  }
0x19e: {  	[sflag:s2] =	ssyncset.done $0x0  }
0x19f: {  	s25 =	simm.s32 $0xB000;
	[sflag:s2] =	ssyncadd.s32 $0xFFFFF830  }
0x1a0: {  	[spmem:s5] =	stream.indirect.scatter.add.f32 [tilespmem:s25], [sflag:$0x3], $0x1, s18, s19, $0xb8;
	[tilespmem:$0x18B80] =	vst v63  }
0x1a1: {  	s28 =	simm.s32 $0xB800  }
0x1a2: {  	[spmem:s6] =	stream.indirect.scatter.add.f32 [tilespmem:s28], [sflag:$0x3], $0x1, s18, s19, $0xb8;
	[tilespmem:$0x18B80] =	vst v63  }
0x1a3: {  	s22 =	simm.s32 $0xC000;
	s13 =	sadd.s32 $0x1, s13  }
0x1a4: {  	[spmem:s7] =	stream.indirect.scatter.add.f32 [tilespmem:s22], [sflag:$0x3], $0x1, s18, s19, $0xb8;
	[tilespmem:$0x18B80] =	vst v63  }
0x1a5: {  	p0 =	sne.s32 s13, $0x32;
	s24 =	simm.s32 $0xC800  }
0x1a6: {  	[spmem:s5] =	stream.indirect.scatter.add.f32 [tilespmem:s24], [sflag:$0x3], $0x1, s0, s19, $0xb8;
	[tilespmem:$0x18B80] =	vst v63  }
.Ltmp4:
0x1a7: {  	_ = 	snop;
	(pc) =	sbr.rel @p0 .LBB2_6-.Ltmp4, $4  }
0x1a8: {  	s25 =	simm.s32 $0xD000  }
0x1a9: {  	[spmem:s6] =	stream.indirect.scatter.add.f32 [tilespmem:s25], [sflag:$0x3], $0x1, s0, s19, $0xb8;
	[tilespmem:$0x18B80] =	vst v63  }
0x1aa: {  	s28 =	simm.s32 $0xD800  }
0x1ab: {  	[spmem:s7] =	stream.indirect.scatter.add.f32 [tilespmem:s28], [sflag:$0x3], $0x1, s0, s19, $0xb8;
	[tilespmem:$0x18B80] =	vst v63  }
0x1ac: {  	_ =	swait.ge [sflag:s2], $0x7D0  }
0x1ad: {  	[sflag:s2] =	ssyncset.done $0x0  }
0x1ae: {  	[sflag:s2] =	ssyncadd.s32 $0xFFFFF830  }
0x1af: {  	_ =	swait.ge [sflag:s2], $0x7D0  }
0x1b0: {  	[sflag:s2] =	ssyncset.done $0x0  }
0x1b1: {  	[sflag:s2] =	ssyncadd.s32 $0xFFFFF830  }
0x1b2: {  	_ =	swait.ge [sflag:s2], $0x7D0  }
0x1b3: {  	[sflag:s2] =	ssyncset.done $0x0  }
0x1b4: {  	[sflag:s2] =	ssyncadd.s32 $0xFFFFF830  }
0x1b5: {  	_ =	swait.ge [sflag:s2], $0x7D0  }
0x1b6: {  	[sflag:s2] =	ssyncset.done $0x0  }
0x1b7: {  	[sflag:s2] =	ssyncadd.s32 $0xFFFFF830  }
0x1b8: {  	_ =	swait.ge [sflag:s2], $0x7D0  }
0x1b9: {  	[sflag:s2] =	ssyncset.done $0x0  }
0x1ba: {  	[sflag:s2] =	ssyncadd.s32 $0xFFFFF830  }
0x1bb: {  	_ =	swait.ge [sflag:s2], $0x7D0  }
0x1bc: {  	[sflag:s2] =	ssyncset.done $0x0  }
0x1bd: {  	[sflag:s2] =	ssyncadd.s32 $0xFFFFF830  }
0x1be: {  	[bflag:$0x0] =	sbarrier.arrive $0xFFFF  }
0x1bf: {  	s25 =	simm.s32 $0xE000;
	s28 =	simm.s32 $0x4;
	s21 =	rddreg [dreg:$0xc]  }
0x1c0: {  	[tilespmem:s25], [sflag:$0x4] =	stream.linear.gather [spmem:s21], $0x1880, $0x38;
	[tilespmem:$0x18B80] =	vst v63  }
0x1c1: {  	_ =	swait.ge [sflag:s28], $0x1880  }
0x1c2: {  	[sflag:s28] =	ssyncset.done $0x0  }
0x1c3: {  	s3 =	simm.s32 $0x0;
	s13 =	rddreg [dreg:$0x16];
	[sflag:s28] =	ssyncadd.s32 $0xFFFFE780  }
0x1c4: {  	[hbm4b:s13+s3] =	stream.linear.scatter [tilespmem:s25], [sflag:$0x4], $0x1880, $0x38;
	[tilespmem:$0x18B80] =	vst v63  }
0x1c5: {  	_ =	swait.ge [sflag:s28], $0x1880  }
0x1c6: {  	[sflag:s28] =	ssyncset.done $0x0  }
0x1c7: {  	s22 =	rddreg [dreg:$0xd];
	[sflag:s28] =	ssyncadd.s32 $0xFFFFE780  }
0x1c8: {  	[tilespmem:s25], [sflag:$0x4] =	stream.linear.gather [spmem:s22], $0x1880, $0x38;
	[tilespmem:$0x18B80] =	vst v63  }
0x1c9: {  	_ =	swait.ge [sflag:s28], $0x1880  }
0x1ca: {  	[sflag:s28] =	ssyncset.done $0x0  }
0x1cb: {  	s24 =	rddreg [dreg:$0x17];
	[sflag:s28] =	ssyncadd.s32 $0xFFFFE780  }
0x1cc: {  	[hbm4b:s24+s3] =	stream.linear.scatter [tilespmem:s25], [sflag:$0x4], $0x1880, $0x38;
	[tilespmem:$0x18B80] =	vst v63  }
0x1cd: {  	_ =	swait.ge [sflag:s28], $0x1880  }
0x1ce: {  	[sflag:s28] =	ssyncset.done $0x0  }
0x1cf: {  	s24 =	rddreg [dreg:$0xe];
	[sflag:s28] =	ssyncadd.s32 $0xFFFFE780  }
0x1d0: {  	[tilespmem:s25], [sflag:$0x4] =	stream.linear.gather [spmem:s24], $0x1880, $0x38;
	[tilespmem:$0x18B80] =	vst v63  }
0x1d1: {  	_ =	swait.ge [sflag:s28], $0x1880  }
0x1d2: {  	[sflag:s28] =	ssyncset.done $0x0  }
0x1d3: {  	s13 =	rddreg [dreg:$0x18];
	[sflag:s28] =	ssyncadd.s32 $0xFFFFE780  }
0x1d4: {  	[hbm4b:s13+s3] =	stream.linear.scatter [tilespmem:s25], [sflag:$0x4], $0x1880, $0x38;
	[tilespmem:$0x18B80] =	vst v63  }
0x1d5: {  	_ =	swait.ge [sflag:s28], $0x1880  }
0x1d6: {  	s3 =	rddreg [dreg:$0x1a]  }
0x1d7: {  	s13 =	sadd.s32 $0x1, s3;
	s3 =	rddreg [dreg:$0x19]  }
0x1d8: {  	p0 =	sne.s32 s13, s3  }
.Ltmp5:
0x1d9: {  	_ = 	snop;
	(pc) =	sbr.rel @p0 .LBB2_1-.Ltmp5, $3  }
0x1da: {  	_ =	sdelay $0x1  }
0x1db: {  	[sflag:s28] =	ssyncset.done $0x0  }
0x1dc: {  	[sflag:s28] =	ssyncadd.s32 $0xFFFFE780  }
0x1dd: {  	_ =	sfence.sel $0x180000  }
0x1de: {  	[bflag:$0x0] =	sbarrier.arrive $0xFFFF  }
0x1df: {  	_ =	strace $0x90000047  }
0x1e0: {  	s0 =	stileid.u32;
	[bflag:$0x2] =	sbarrier.arrive $0xFFFF  }
0x1e1: {  	p0 =	sne.s32 s0, $0x0;
	s0 =	rddreg [dreg:$0xa]  }
0x1e2: {  	s0 =	sadd.s32 @!p0 $0x100000, s0  }
0x1e3: {  	[sflag:s0] =	ssyncadd.tile.s32 @!p0 $0x1;
	_ =	shalt  }
.Lfunc_end2:
_tile_overlayer_lowered:
.L_overlay_start_2:
0x1e4: {  	(tag) =	ssettag $0x2  }
0x1e5: {  	s0 =	rddreg [dreg:$0x0];
	s2 =	stileid.u32  }
0x1e6: {  	s1 =	rddreg [dreg:$0x1];
	p0 =	sne.s32 s2, $0x0  }
0x1e7: {  	s3 =	rddreg [dreg:$0x2];
	[bflag:$0x3] =	sbarrier.arrive $0xFFFF;
	s2 =	simm.s32 @!p0 $0x1C04  }
0x1e8: {  	[timem:s3], [sflag:s2] =	dma.local @!p0 [hbm:s0], s1  }
0x1e9: {  	s0 =	simm.s32 @!p0 $0x4  }
0x1ea: {  	_ =	swait.ge @!p0 [sflag:s0], s1  }
0x1eb: {  	s1 =	ssub.s32 @!p0 $0x0, s1;
	[sflag:s0] =	ssyncset.done @!p0 $0x0  }
0x1ec: {  	[sflag:s0] =	ssyncadd.s32 @!p0 s1  }
0x1ed: {  	[bflag:$0x3] =	sbarrier.arrive $0xFFFF  }
0x1ee: {  	_ =	shalt  }

</sc_bundles>
